<compile_context>
chip_gen: v7x
topology: tpu7x:2x2x1
jax: 0.10.2.dev20260603
libtpu: 0.0.44.dev20260713+nightly
codegen_flags: <defaults>
</compile_context>

<pallas_src>
import functools

import jax
import jax.numpy as jnp
from jax import lax
from jax.experimental import pallas as pl
from jax.experimental.pallas import tpu as pltpu
from jax.experimental.pallas import tpu_sc as plsc

_N = 10000
_E = 320000
_L = 16
_NT = 16
_EPT = _E // _NT
_ROWS = 160
_EPAD = _ROWS * 128
_NPW = 640
_NPAD = _NT * _NPW
_ZV = (_EPAD - _EPT) // _L


def _matvec_body(h_ref, w_ref, o_ref):
    o_ref[...] = jnp.dot(h_ref[...], w_ref[...],
                         preferred_element_type=jnp.float32)


_mesh = plsc.VectorSubcoreMesh(core_axis_name="c", subcore_axis_name="s",
                               num_cores=1)


@functools.partial(
    pl.kernel,
    mesh=_mesh,
    compiler_params=pltpu.CompilerParams(needs_layout_passes=False),
    out_type=jax.ShapeDtypeStruct((_NPAD,), jnp.float32),
    scratch_types=[
        pltpu.VMEM((_N,), jnp.float32),
        pltpu.VMEM((_EPAD,), jnp.int32),
        pltpu.VMEM((_EPAD,), jnp.int32),
        pltpu.VMEM((_EPAD,), jnp.float32),
        pltpu.VMEM((_EPAD,), jnp.float32),
        pltpu.VMEM((_ROWS, 128), jnp.int32),
        pltpu.VMEM((_L,), jnp.float32),
        pltpu.VMEM((_L,), jnp.float32),
        pltpu.VMEM((_NT * _L,), jnp.float32),
        pltpu.VMEM((_NPW,), jnp.float32),
        pltpu.SemaphoreType.DMA,
        pltpu.VMEM_SHARED((_NPAD,), jnp.float32),
        pltpu.VMEM_SHARED((2 * _NT * _L,), jnp.float32),
    ],
)
def _edge_kernel(w_hbm, ei_hbm, a_hbm, out_hbm,
                 w_v, srcf_v, dstf_v, e_v, ws_v, dst2_v, a_v, pub_v,
                 red_v, node_v, sem, acc_sh, red_sh):
    wid = lax.axis_index("s")
    ebase = wid * _EPT
    nbase = wid * _NPW
    zero16 = jnp.zeros((_L,), jnp.float32)

    d1 = pltpu.async_copy(w_hbm, w_v, sem)
    d2 = pltpu.async_copy(a_hbm, a_v, sem)
    d3 = pltpu.async_copy(ei_hbm.at[pl.ds(ebase, _EPT)],
                          srcf_v.at[pl.ds(0, _EPT)], sem)
    d4 = pltpu.async_copy(ei_hbm.at[pl.ds(_E + ebase, _EPT)],
                          dstf_v.at[pl.ds(0, _EPT)], sem)

    def _ztail(j, c):
        srcf_v[pl.ds(_EPT + j * _L, _L)] = zero16.astype(jnp.int32)
        dstf_v[pl.ds(_EPT + j * _L, _L)] = zero16.astype(jnp.int32)
        return c
    lax.fori_loop(0, _ZV, _ztail, 0)

    def _znode(j, c):
        node_v[pl.ds(j * _L, _L)] = zero16
        return c
    lax.fori_loop(0, _NPW // _L, _znode, 0)
    pltpu.sync_copy(node_v, acc_sh.at[pl.ds(nbase, _NPW)])
    d1.wait()
    d2.wait()
    d3.wait()
    d4.wait()

    def _rne_bf16(x):
        u = plsc.bitcast(x, jnp.uint32)
        bias = ((u >> jnp.uint32(16)) & jnp.uint32(1)) + jnp.uint32(0x7FFF)
        return plsc.bitcast((u + bias) & jnp.uint32(0xFFFF0000), jnp.float32)

    asum = jnp.sum(_rne_bf16(a_v[...]))

    def _p1(j, mvec):
        base = j * 128
        for k in range(8):
            off = base + k * _L
            sv = srcf_v[pl.ds(off, _L)]
            dv = dstf_v[pl.ds(off, _L)]
            ws = plsc.load_gather(w_v, [sv])
            wd = plsc.load_gather(w_v, [dv])
            s = _rne_bf16(ws * wd) * asum
            e = jnp.where(s >= 0.0, s, s * jnp.float32(0.2))
            e_v[pl.ds(off, _L)] = e
            ws_v[pl.ds(off, _L)] = ws
            dst2_v[j, pl.ds(k * _L, _L)] = dv
            mvec = jnp.maximum(mvec, e)
        return mvec
    mvec = lax.fori_loop(0, _ROWS, _p1,
                         jnp.full((_L,), -jnp.inf, jnp.float32))
    pub_v[...] = mvec
    pltpu.sync_copy(pub_v, red_sh.at[pl.ds(wid * _L, _L)])
    plsc.subcore_barrier()

    pltpu.sync_copy(red_sh.at[pl.ds(0, _NT * _L)], red_v)

    def _rmax(j, mv):
        return jnp.maximum(mv, red_v[pl.ds(j * _L, _L)])
    gmax = jnp.max(lax.fori_loop(0, _NT, _rmax,
                                 jnp.full((_L,), -jnp.inf, jnp.float32)))

    _DEPTH = 8

    def _p2(j, zvec):
        base = j * 128
        for k in range(8):
            off = base + k * _L
            p = jnp.exp(e_v[pl.ds(off, _L)] - gmax)
            p = jnp.where(off < _EPT, p, 0.0)
            e_v[pl.ds(off, _L)] = p * ws_v[pl.ds(off, _L)]
            zvec = zvec + p
        pltpu.async_copy(e_v.at[pl.ds(base, 128)], acc_sh.at[dst2_v.at[j]],
                         sem, add=True)

        @pl.when(j >= _DEPTH)
        def _bp():
            pltpu.make_async_copy(e_v.at[pl.ds(0, 128)],
                                  acc_sh.at[pl.ds(0, 128)], sem).wait()
        return zvec
    zvec = lax.fori_loop(0, _ROWS, _p2, jnp.zeros((_L,), jnp.float32))
    pub_v[...] = zvec
    pltpu.sync_copy(pub_v, red_sh.at[pl.ds((_NT + wid) * _L, _L)])
    for _ in range(_DEPTH):
        pltpu.make_async_copy(e_v.at[pl.ds(0, 128)],
                              acc_sh.at[pl.ds(0, 128)], sem).wait()
    plsc.subcore_barrier()

    pltpu.sync_copy(red_sh.at[pl.ds(_NT * _L, _NT * _L)], red_v)

    def _rsum(j, zv):
        return zv + red_v[pl.ds(j * _L, _L)]
    ztot = jnp.sum(lax.fori_loop(0, _NT, _rsum,
                                 jnp.zeros((_L,), jnp.float32)))
    zinv_vec = jnp.float32(1.0) / jnp.full((_L,), ztot, jnp.float32)

    pltpu.sync_copy(acc_sh.at[pl.ds(nbase, _NPW)], node_v)

    def _fin(j, c):
        sl = pl.ds(j * _L, _L)
        x = node_v[sl] * zinv_vec
        node_v[sl] = jnp.where(x > 0.0, x, jnp.exp(x) - 1.0)
        return c
    lax.fori_loop(0, _NPW // _L, _fin, 0)
    pltpu.sync_copy(node_v, out_hbm.at[pl.ds(nbase, _NPW)])


def kernel(h, edge_index, W, a):
    w2d = pl.pallas_call(
        _matvec_body,
        out_shape=jax.ShapeDtypeStruct((_N, 1), jnp.float32),
    )(h, W)
    w_flat = w2d.reshape(_N)
    a_pad = jnp.pad(a.reshape(2), (0, _L - 2))
    out_flat = _edge_kernel(w_flat, edge_index.reshape(2 * _E), a_pad)
    return out_flat[:_N].reshape(_N, 1)

# --- scband reference (transcript-rebuilt; emitter-appended) ---
"""Pipeline reference for scband-gatlayer-24043226923662 (READ-ONLY COPY).

The authoritative reference and input builder live on the scoring server;
editing this copy changes nothing except your own understanding.
"""

import jax, jax.numpy as jnp
import numpy as np

N, E, D_IN = 10000, 320000, 128
OUT_TIMES_HEADS = 1  # out_features * num_heads (must be 1, see notes)


def setup_inputs(seed: int = 0) -> dict:
    key = jax.random.key(seed)
    k1, k2, k3, k4 = jax.random.split(key, 4)
    h = jax.random.normal(k1, (N, D_IN), dtype=jnp.float32)
    edge_index = jax.random.randint(k2, (2, E), 0, N, dtype=jnp.int32)
    # Xavier-uniform-like init for parameters
    W = jax.random.uniform(k3, (D_IN, OUT_TIMES_HEADS), dtype=jnp.float32,
                           minval=-1.0, maxval=1.0) * np.sqrt(6.0 / (D_IN + OUT_TIMES_HEADS))
    a = jax.random.uniform(k4, (2 * OUT_TIMES_HEADS, 1), dtype=jnp.float32,
                           minval=-1.0, maxval=1.0) * np.sqrt(6.0 / (2 * OUT_TIMES_HEADS + 1))
    return {"h": h, "edge_index": edge_index, "W": W, "a": a}


def reference(h, edge_index, W, a):
    # Wh = h @ W  -> [N, out*heads]
    Wh = jnp.matmul(h, W)
    src = edge_index[0]
    dst = edge_index[1]
    # a_input = (Wh[src] * Wh[dst]).sum(-1, keepdim) -> [E, 1], repeat to [E, 2]
    a_input = jnp.sum(Wh[src] * Wh[dst], axis=-1, keepdims=True)
    a_input = jnp.tile(a_input, (1, 2))
    # e = leaky_relu(a_input @ a).squeeze(-1) -> [E]
    e = jax.nn.leaky_relu(jnp.matmul(a_input, a), negative_slope=0.2)
    e = jnp.squeeze(e, axis=-1)
    # softmax over ALL edges (dim=0), as in the original module
    attention = jax.nn.softmax(e, axis=0)
    # dropout skipped (eval mode / p used only in training)
    # scatter-add: h_prime[dst] += attention[i] * Wh[src]
    h_prime = jnp.zeros_like(Wh).at[dst].add(attention[:, None] * Wh[src])
    return jax.nn.elu(h_prime)

if __name__ == "__main__":
    import jax
    _d = setup_inputs()
    print(jax.jit(kernel)(*tuple(_d.values())))

</pallas_src>

<mosaic_0001>
#map = affine_map<(d0, d1) -> (0)>
module attributes {stable_mosaic.version = 14 : i64} {
  func.func @_edge_kernel(%arg0: i32, %arg1: i32, %arg2: memref<10000xf32, #tpu.memory_space<hbm>>, %arg3: memref<640000xi32, #tpu.memory_space<hbm>>, %arg4: memref<16xf32, #tpu.memory_space<hbm>>, %arg5: memref<10240xf32, #tpu.memory_space<hbm>>, %arg6: memref<10000xf32, #tpu.memory_space<vmem>>, %arg7: memref<20480xi32, #tpu.memory_space<vmem>>, %arg8: memref<20480xi32, #tpu.memory_space<vmem>>, %arg9: memref<20480xf32, #tpu.memory_space<vmem>>, %arg10: memref<20480xf32, #tpu.memory_space<vmem>>, %arg11: memref<160x128xi32, #tpu.memory_space<vmem>>, %arg12: memref<16xf32, #tpu.memory_space<vmem>>, %arg13: memref<16xf32, #tpu.memory_space<vmem>>, %arg14: memref<256xf32, #tpu.memory_space<vmem>>, %arg15: memref<640xf32, #tpu.memory_space<vmem>>, %arg16: memref<!tpu.dma_semaphore, #tpu.memory_space<semaphore_mem>>, %arg17: memref<10240xf32, #tpu.memory_space<vmem_shared>>, %arg18: memref<512xf32, #tpu.memory_space<vmem_shared>>) attributes {dimension_semantics = [#tpu.dimension_semantics<core_parallel>, #tpu.dimension_semantics<subcore_parallel>], iteration_bounds = array<i64: 1, 16>, scalar_prefetch = 0 : i64, scratch_operands = 13 : i64, tpu.core_type = #tpu.core_type<sc_vector_subcore>, window_params = [{transform_indices = #map}, {transform_indices = #map}, {transform_indices = #map}, {transform_indices = #map}]} {
    %mul3A = arith.constant 20000 : i32
    %mul3A_0 = arith.muli %arg1, %mul3A : i32
    %mul3A_1 = arith.constant 640 : i32
    %mul3A_2 = arith.muli %arg1, %mul3A_1 : i32
    %broadcast_in_dim3A = arith.constant 0.000000e+00 : f32
    %broadcast_in_dim3A_3 = vector.broadcast %broadcast_in_dim3A : f32 to vector<16xf32>
    tpu.enqueue_dma source(%arg2 : memref<10000xf32, #tpu.memory_space<hbm>>) target(%arg6 : memref<10000xf32, #tpu.memory_space<vmem>>) target_semaphore(%arg16 : memref<!tpu.dma_semaphore, #tpu.memory_space<semaphore_mem>>)
    tpu.enqueue_dma source(%arg4 : memref<16xf32, #tpu.memory_space<hbm>>) target(%arg12 : memref<16xf32, #tpu.memory_space<vmem>>) target_semaphore(%arg16 : memref<!tpu.dma_semaphore, #tpu.memory_space<semaphore_mem>>)
    %dma_start3A = arith.constant 0 : i32
    %dma_start3A_4 = tpu.memref_slice %arg7[%dma_start3A] : memref<20480xi32, #tpu.memory_space<vmem>> -> memref<20000xi32, #tpu.memory_space<vmem>>
    %dma_start3A_5 = tpu.memref_slice %arg3[%mul3A_0] : memref<640000xi32, #tpu.memory_space<hbm>> -> memref<20000xi32, #tpu.memory_space<hbm>>
    %dma_start3A_6 = arith.constant 0 : i32
    %dma_start3A_7 = tpu.memref_slice %arg7[%dma_start3A_6] : memref<20480xi32, #tpu.memory_space<vmem>> -> memref<20000xi32, #tpu.memory_space<vmem>>
    %dma_start3A_8 = tpu.memref_slice %arg3[%mul3A_0] : memref<640000xi32, #tpu.memory_space<hbm>> -> memref<20000xi32, #tpu.memory_space<hbm>>
    tpu.enqueue_dma source(%dma_start3A_8 : memref<20000xi32, #tpu.memory_space<hbm>>) target(%dma_start3A_7 : memref<20000xi32, #tpu.memory_space<vmem>>) target_semaphore(%arg16 : memref<!tpu.dma_semaphore, #tpu.memory_space<semaphore_mem>>)
    %add3A = arith.constant 320000 : i32
    %add3A_9 = arith.addi %add3A, %mul3A_0 : i32
    %dma_start3A_10 = arith.constant 0 : i32
    %dma_start3A_11 = tpu.memref_slice %arg8[%dma_start3A_10] : memref<20480xi32, #tpu.memory_space<vmem>> -> memref<20000xi32, #tpu.memory_space<vmem>>
    %dma_start3A_12 = tpu.memref_slice %arg3[%add3A_9] : memref<640000xi32, #tpu.memory_space<hbm>> -> memref<20000xi32, #tpu.memory_space<hbm>>
    %dma_start3A_13 = arith.constant 0 : i32
    %dma_start3A_14 = tpu.memref_slice %arg8[%dma_start3A_13] : memref<20480xi32, #tpu.memory_space<vmem>> -> memref<20000xi32, #tpu.memory_space<vmem>>
    %dma_start3A_15 = tpu.memref_slice %arg3[%add3A_9] : memref<640000xi32, #tpu.memory_space<hbm>> -> memref<20000xi32, #tpu.memory_space<hbm>>
    tpu.enqueue_dma source(%dma_start3A_15 : memref<20000xi32, #tpu.memory_space<hbm>>) target(%dma_start3A_14 : memref<20000xi32, #tpu.memory_space<vmem>>) target_semaphore(%arg16 : memref<!tpu.dma_semaphore, #tpu.memory_space<semaphore_mem>>)
    %scan3A = arith.constant 0 : i32
    %scan3A_16 = arith.constant 0 : i32
    %scan3A_17 = arith.constant 30 : i32
    %scan3A_18 = arith.addi %scan3A_16, %scan3A_17 : i32
    %scan3A_19 = arith.constant 1 : i32
    scf.for %scan3A_176 = %scan3A_16 to %scan3A_18 step %scan3A_19  : i32 {
      %convert_element_type3A = arith.fptosi %broadcast_in_dim3A_3 : vector<16xf32> to vector<16xi32>
      %mul3A_177 = arith.constant 16 : i32
      %mul3A_178 = arith.muli %scan3A_176, %mul3A_177 : i32
      %add3A_179 = arith.constant 20000 : i32
      %add3A_180 = arith.addi %add3A_179, %mul3A_178 : i32
      %swap3A_181 = arith.index_cast %add3A_180 : i32 to index
      %swap3A_182 = tpu.vector_load %arg7[%swap3A_181] {strides = array<i32>} : memref<20480xi32, #tpu.memory_space<vmem>>, vector<16xi32>,
      tpu.vector_store %arg7[%swap3A_181], %convert_element_type3A {strides = array<i32>} : memref<20480xi32, #tpu.memory_space<vmem>>, vector<16xi32>,
      %convert_element_type3A_183 = arith.fptosi %broadcast_in_dim3A_3 : vector<16xf32> to vector<16xi32>
      %mul3A_184 = arith.constant 16 : i32
      %mul3A_185 = arith.muli %scan3A_176, %mul3A_184 : i32
      %add3A_186 = arith.constant 20000 : i32
      %add3A_187 = arith.addi %add3A_186, %mul3A_185 : i32
      %swap3A_188 = arith.index_cast %add3A_187 : i32 to index
      %swap3A_189 = tpu.vector_load %arg8[%swap3A_188] {strides = array<i32>} : memref<20480xi32, #tpu.memory_space<vmem>>, vector<16xi32>,
      tpu.vector_store %arg8[%swap3A_188], %convert_element_type3A_183 {strides = array<i32>} : memref<20480xi32, #tpu.memory_space<vmem>>, vector<16xi32>,
    }
    %scan3A_20 = arith.constant 30 : i32
    %scan3A_21 = arith.constant 0 : i32
    %scan3A_22 = arith.constant 0 : i32
    %scan3A_23 = arith.constant 40 : i32
    %scan3A_24 = arith.addi %scan3A_22, %scan3A_23 : i32
    %scan3A_25 = arith.constant 1 : i32
    scf.for %scan3A_176 = %scan3A_22 to %scan3A_24 step %scan3A_25  : i32 {
      %mul3A_177 = arith.constant 16 : i32
      %mul3A_178 = arith.muli %scan3A_176, %mul3A_177 : i32
      %swap3A_179 = arith.index_cast %mul3A_178 : i32 to index
      %swap3A_180 = tpu.vector_load %arg15[%swap3A_179] {strides = array<i32>} : memref<640xf32, #tpu.memory_space<vmem>>, vector<16xf32>,
      tpu.vector_store %arg15[%swap3A_179], %broadcast_in_dim3A_3 {strides = array<i32>} : memref<640xf32, #tpu.memory_space<vmem>>, vector<16xf32>,
    }
    %scan3A_26 = arith.constant 40 : i32
    "tpu.region"() ({
      %run_scoped3A = tpu.sem_alloc : memref<!tpu.dma_semaphore, #tpu.memory_space<semaphore_mem>>
      %dma_start3A_176 = tpu.memref_slice %arg17[%mul3A_2] : memref<10240xf32, #tpu.memory_space<vmem_shared>> -> memref<640xf32, #tpu.memory_space<vmem_shared>>
      %dma_start3A_177 = tpu.memref_slice %arg17[%mul3A_2] : memref<10240xf32, #tpu.memory_space<vmem_shared>> -> memref<640xf32, #tpu.memory_space<vmem_shared>>
      tpu.enqueue_dma source(%arg15 : memref<640xf32, #tpu.memory_space<vmem>>) target(%dma_start3A_177 : memref<640xf32, #tpu.memory_space<vmem_shared>>) target_semaphore(%run_scoped3A : memref<!tpu.dma_semaphore, #tpu.memory_space<semaphore_mem>>)
      %dma_wait3A_178 = tpu.memref_slice %arg17[%mul3A_2] : memref<10240xf32, #tpu.memory_space<vmem_shared>> -> memref<640xf32, #tpu.memory_space<vmem_shared>>
      %dma_wait3A_179 = tpu.memref_slice %arg17[%mul3A_2] : memref<10240xf32, #tpu.memory_space<vmem_shared>> -> memref<640xf32, #tpu.memory_space<vmem_shared>>
      tpu.wait_dma2 semaphore(%run_scoped3A : memref<!tpu.dma_semaphore, #tpu.memory_space<semaphore_mem>>) src(%arg15 : memref<640xf32, #tpu.memory_space<vmem>>) dst(%dma_wait3A_179 : memref<640xf32, #tpu.memory_space<vmem_shared>>)
      tpu.yield
    }) : () -> ()
    tpu.wait_dma2 semaphore(%arg16 : memref<!tpu.dma_semaphore, #tpu.memory_space<semaphore_mem>>) src(%arg2 : memref<10000xf32, #tpu.memory_space<hbm>>) dst(%arg6 : memref<10000xf32, #tpu.memory_space<vmem>>)
    tpu.wait_dma2 semaphore(%arg16 : memref<!tpu.dma_semaphore, #tpu.memory_space<semaphore_mem>>) src(%arg4 : memref<16xf32, #tpu.memory_space<hbm>>) dst(%arg12 : memref<16xf32, #tpu.memory_space<vmem>>)
    %dma_wait3A = arith.constant 0 : i32
    %dma_wait3A_27 = tpu.memref_slice %arg7[%dma_wait3A] : memref<20480xi32, #tpu.memory_space<vmem>> -> memref<20000xi32, #tpu.memory_space<vmem>>
    %dma_wait3A_28 = tpu.memref_slice %arg3[%mul3A_0] : memref<640000xi32, #tpu.memory_space<hbm>> -> memref<20000xi32, #tpu.memory_space<hbm>>
    %dma_wait3A_29 = arith.constant 0 : i32
    %dma_wait3A_30 = tpu.memref_slice %arg7[%dma_wait3A_29] : memref<20480xi32, #tpu.memory_space<vmem>> -> memref<20000xi32, #tpu.memory_space<vmem>>
    %dma_wait3A_31 = tpu.memref_slice %arg3[%mul3A_0] : memref<640000xi32, #tpu.memory_space<hbm>> -> memref<20000xi32, #tpu.memory_space<hbm>>
    tpu.wait_dma2 semaphore(%arg16 : memref<!tpu.dma_semaphore, #tpu.memory_space<semaphore_mem>>) src(%dma_wait3A_31 : memref<20000xi32, #tpu.memory_space<hbm>>) dst(%dma_wait3A_30 : memref<20000xi32, #tpu.memory_space<vmem>>)
    %dma_wait3A_32 = arith.constant 0 : i32
    %dma_wait3A_33 = tpu.memref_slice %arg8[%dma_wait3A_32] : memref<20480xi32, #tpu.memory_space<vmem>> -> memref<20000xi32, #tpu.memory_space<vmem>>
    %dma_wait3A_34 = tpu.memref_slice %arg3[%add3A_9] : memref<640000xi32, #tpu.memory_space<hbm>> -> memref<20000xi32, #tpu.memory_space<hbm>>
    %dma_wait3A_35 = arith.constant 0 : i32
    %dma_wait3A_36 = tpu.memref_slice %arg8[%dma_wait3A_35] : memref<20480xi32, #tpu.memory_space<vmem>> -> memref<20000xi32, #tpu.memory_space<vmem>>
    %dma_wait3A_37 = tpu.memref_slice %arg3[%add3A_9] : memref<640000xi32, #tpu.memory_space<hbm>> -> memref<20000xi32, #tpu.memory_space<hbm>>
    tpu.wait_dma2 semaphore(%arg16 : memref<!tpu.dma_semaphore, #tpu.memory_space<semaphore_mem>>) src(%dma_wait3A_37 : memref<20000xi32, #tpu.memory_space<hbm>>) dst(%dma_wait3A_36 : memref<20000xi32, #tpu.memory_space<vmem>>)
    %get3A = arith.constant 0 : index
    %get3A_38 = tpu.vector_load %arg12[%get3A] {strides = array<i32>} : memref<16xf32, #tpu.memory_space<vmem>>, vector<16xf32>,
    %bitcast3A = vector.bitcast %get3A_38 : vector<16xf32> to vector<16xi32>
    %shift_right_logical3A = arith.constant 16 : i32
    %shift_right_logical3A_39 = vector.broadcast %shift_right_logical3A : i32 to vector<16xi32>
    %shift_right_logical3A_40 = arith.shrui %bitcast3A, %shift_right_logical3A_39 : vector<16xi32>
    %and3A = arith.constant 1 : i32
    %and3A_41 = vector.broadcast %and3A : i32 to vector<16xi32>
    %and3A_42 = arith.andi %shift_right_logical3A_40, %and3A_41 : vector<16xi32>
    %add3A_43 = arith.constant 32767 : i32
    %add3A_44 = vector.broadcast %add3A_43 : i32 to vector<16xi32>
    %add3A_45 = arith.addi %and3A_42, %add3A_44 : vector<16xi32>
    %add3A_46 = arith.addi %bitcast3A, %add3A_45 : vector<16xi32>
    %and3A_47 = arith.constant -65536 : i32
    %and3A_48 = vector.broadcast %and3A_47 : i32 to vector<16xi32>
    %and3A_49 = arith.andi %add3A_46, %and3A_48 : vector<16xi32>
    %bitcast3A_50 = vector.bitcast %and3A_49 : vector<16xi32> to vector<16xf32>
    %reduce_sum3A = arith.constant true
    %reduce_sum3A_51 = vector.broadcast %reduce_sum3A : i1 to vector<16xi1>
    %reduce_sum3A_52 = tpu.scan <sum>, %bitcast3A_50 masked %reduce_sum3A_51 : vector<16xf32>, vector<16xi1> -> vector<16xf32>
    %reduce_sum3A_53 = vector.extract %reduce_sum3A_52[15] : f32 from vector<16xf32>
    %broadcast_in_dim3A_54 = arith.constant 0xFF800000 : f32
    %broadcast_in_dim3A_55 = vector.broadcast %broadcast_in_dim3A_54 : f32 to vector<16xf32>
    %scan3A_56 = arith.constant 0 : i32
    %scan3A_57 = arith.constant 160 : i32
    %scan3A_58 = arith.addi %scan3A_56, %scan3A_57 : i32
    %scan3A_59 = arith.constant 1 : i32
    %scan3A_60 = scf.for %scan3A_176 = %scan3A_56 to %scan3A_58 step %scan3A_59 iter_args(%scan3A_177 = %broadcast_in_dim3A_55) -> (vector<16xf32>)  : i32 {
      %mul3A_178 = arith.constant 128 : i32
      %mul3A_179 = arith.muli %scan3A_176, %mul3A_178 : i32
      %add3A_180 = arith.constant 0 : i32
      %add3A_181 = arith.addi %mul3A_179, %add3A_180 : i32
      %get3A_182 = arith.index_cast %add3A_181 : i32 to index
      %get3A_183 = tpu.vector_load %arg7[%get3A_182] {strides = array<i32>} : memref<20480xi32, #tpu.memory_space<vmem>>, vector<16xi32>,
      %get3A_184 = arith.index_cast %add3A_181 : i32 to index
      %get3A_185 = tpu.vector_load %arg8[%get3A_184] {strides = array<i32>} : memref<20480xi32, #tpu.memory_space<vmem>>, vector<16xi32>,
      %gather3A = tpu.vector_load_idx %arg6[%get3A_183] : memref<10000xf32, #tpu.memory_space<vmem>>[vector<16xi32>], vector<16xf32>,
      %gather3A_186 = tpu.vector_load_idx %arg6[%get3A_185] : memref<10000xf32, #tpu.memory_space<vmem>>[vector<16xi32>], vector<16xf32>,
      %mul3A_187 = arith.mulf %gather3A, %gather3A_186 : vector<16xf32>
      %bitcast3A_188 = vector.bitcast %mul3A_187 : vector<16xf32> to vector<16xi32>
      %shift_right_logical3A_189 = arith.constant 16 : i32
      %shift_right_logical3A_190 = vector.broadcast %shift_right_logical3A_189 : i32 to vector<16xi32>
      %shift_right_logical3A_191 = arith.shrui %bitcast3A_188, %shift_right_logical3A_190 : vector<16xi32>
      %and3A_192 = arith.constant 1 : i32
      %and3A_193 = vector.broadcast %and3A_192 : i32 to vector<16xi32>
      %and3A_194 = arith.andi %shift_right_logical3A_191, %and3A_193 : vector<16xi32>
      %add3A_195 = arith.constant 32767 : i32
      %add3A_196 = vector.broadcast %add3A_195 : i32 to vector<16xi32>
      %add3A_197 = arith.addi %and3A_194, %add3A_196 : vector<16xi32>
      %add3A_198 = arith.addi %bitcast3A_188, %add3A_197 : vector<16xi32>
      %and3A_199 = arith.constant -65536 : i32
      %and3A_200 = vector.broadcast %and3A_199 : i32 to vector<16xi32>
      %and3A_201 = arith.andi %add3A_198, %and3A_200 : vector<16xi32>
      %bitcast3A_202 = vector.bitcast %and3A_201 : vector<16xi32> to vector<16xf32>
      %mul3A_203 = vector.broadcast %reduce_sum3A_53 : f32 to vector<16xf32>
      %mul3A_204 = arith.mulf %bitcast3A_202, %mul3A_203 : vector<16xf32>
      %ge3A = arith.constant 0.000000e+00 : f32
      %ge3A_205 = vector.broadcast %ge3A : f32 to vector<16xf32>
      %ge3A_206 = arith.cmpf oge, %mul3A_204, %ge3A_205 : vector<16xf32>
      %mul3A_207 = arith.constant 2.000000e-01 : f32
      %mul3A_208 = vector.broadcast %mul3A_207 : f32 to vector<16xf32>
      %mul3A_209 = arith.mulf %mul3A_204, %mul3A_208 : vector<16xf32>
      %select_n3A = arith.select %ge3A_206, %mul3A_204, %mul3A_209 : vector<16xi1>, vector<16xf32>
      %swap3A_210 = arith.index_cast %add3A_181 : i32 to index
      %swap3A_211 = tpu.vector_load %arg9[%swap3A_210] {strides = array<i32>} : memref<20480xf32, #tpu.memory_space<vmem>>, vector<16xf32>,
      tpu.vector_store %arg9[%swap3A_210], %select_n3A {strides = array<i32>} : memref<20480xf32, #tpu.memory_space<vmem>>, vector<16xf32>,
      %swap3A_212 = arith.index_cast %add3A_181 : i32 to index
      %swap3A_213 = tpu.vector_load %arg10[%swap3A_212] {strides = array<i32>} : memref<20480xf32, #tpu.memory_space<vmem>>, vector<16xf32>,
      tpu.vector_store %arg10[%swap3A_212], %gather3A {strides = array<i32>} : memref<20480xf32, #tpu.memory_space<vmem>>, vector<16xf32>,
      %swap3A_214 = arith.index_cast %scan3A_176 : i32 to index
      %swap3A_215 = arith.constant 0 : index
      %swap3A_216 = tpu.vector_load %arg11[%swap3A_214, %swap3A_215] {strides = array<i32>} : memref<160x128xi32, #tpu.memory_space<vmem>>, vector<16xi32>,
      tpu.vector_store %arg11[%swap3A_214, %swap3A_215], %get3A_185 {strides = array<i32>} : memref<160x128xi32, #tpu.memory_space<vmem>>, vector<16xi32>,
      %max3A = arith.maximumf %scan3A_177, %select_n3A : vector<16xf32>
      %add3A_217 = arith.constant 16 : i32
      %add3A_218 = arith.addi %mul3A_179, %add3A_217 : i32
      %get3A_219 = arith.index_cast %add3A_218 : i32 to index
      %get3A_220 = tpu.vector_load %arg7[%get3A_219] {strides = array<i32>} : memref<20480xi32, #tpu.memory_space<vmem>>, vector<16xi32>,
      %get3A_221 = arith.index_cast %add3A_218 : i32 to index
      %get3A_222 = tpu.vector_load %arg8[%get3A_221] {strides = array<i32>} : memref<20480xi32, #tpu.memory_space<vmem>>, vector<16xi32>,
      %gather3A_223 = tpu.vector_load_idx %arg6[%get3A_220] : memref<10000xf32, #tpu.memory_space<vmem>>[vector<16xi32>], vector<16xf32>,
      %gather3A_224 = tpu.vector_load_idx %arg6[%get3A_222] : memref<10000xf32, #tpu.memory_space<vmem>>[vector<16xi32>], vector<16xf32>,
      %mul3A_225 = arith.mulf %gather3A_223, %gather3A_224 : vector<16xf32>
      %bitcast3A_226 = vector.bitcast %mul3A_225 : vector<16xf32> to vector<16xi32>
      %shift_right_logical3A_227 = arith.constant 16 : i32
      %shift_right_logical3A_228 = vector.broadcast %shift_right_logical3A_227 : i32 to vector<16xi32>
      %shift_right_logical3A_229 = arith.shrui %bitcast3A_226, %shift_right_logical3A_228 : vector<16xi32>
      %and3A_230 = arith.constant 1 : i32
      %and3A_231 = vector.broadcast %and3A_230 : i32 to vector<16xi32>
      %and3A_232 = arith.andi %shift_right_logical3A_229, %and3A_231 : vector<16xi32>
      %add3A_233 = arith.constant 32767 : i32
      %add3A_234 = vector.broadcast %add3A_233 : i32 to vector<16xi32>
      %add3A_235 = arith.addi %and3A_232, %add3A_234 : vector<16xi32>
      %add3A_236 = arith.addi %bitcast3A_226, %add3A_235 : vector<16xi32>
      %and3A_237 = arith.constant -65536 : i32
      %and3A_238 = vector.broadcast %and3A_237 : i32 to vector<16xi32>
      %and3A_239 = arith.andi %add3A_236, %and3A_238 : vector<16xi32>
      %bitcast3A_240 = vector.bitcast %and3A_239 : vector<16xi32> to vector<16xf32>
      %mul3A_241 = vector.broadcast %reduce_sum3A_53 : f32 to vector<16xf32>
      %mul3A_242 = arith.mulf %bitcast3A_240, %mul3A_241 : vector<16xf32>
      %ge3A_243 = arith.constant 0.000000e+00 : f32
      %ge3A_244 = vector.broadcast %ge3A_243 : f32 to vector<16xf32>
      %ge3A_245 = arith.cmpf oge, %mul3A_242, %ge3A_244 : vector<16xf32>
      %mul3A_246 = arith.constant 2.000000e-01 : f32
      %mul3A_247 = vector.broadcast %mul3A_246 : f32 to vector<16xf32>
      %mul3A_248 = arith.mulf %mul3A_242, %mul3A_247 : vector<16xf32>
      %select_n3A_249 = arith.select %ge3A_245, %mul3A_242, %mul3A_248 : vector<16xi1>, vector<16xf32>
      %swap3A_250 = arith.index_cast %add3A_218 : i32 to index
      %swap3A_251 = tpu.vector_load %arg9[%swap3A_250] {strides = array<i32>} : memref<20480xf32, #tpu.memory_space<vmem>>, vector<16xf32>,
      tpu.vector_store %arg9[%swap3A_250], %select_n3A_249 {strides = array<i32>} : memref<20480xf32, #tpu.memory_space<vmem>>, vector<16xf32>,
      %swap3A_252 = arith.index_cast %add3A_218 : i32 to index
      %swap3A_253 = tpu.vector_load %arg10[%swap3A_252] {strides = array<i32>} : memref<20480xf32, #tpu.memory_space<vmem>>, vector<16xf32>,
      tpu.vector_store %arg10[%swap3A_252], %gather3A_223 {strides = array<i32>} : memref<20480xf32, #tpu.memory_space<vmem>>, vector<16xf32>,
      %swap3A_254 = arith.index_cast %scan3A_176 : i32 to index
      %swap3A_255 = arith.constant 16 : index
      %swap3A_256 = tpu.vector_load %arg11[%swap3A_254, %swap3A_255] {strides = array<i32>} : memref<160x128xi32, #tpu.memory_space<vmem>>, vector<16xi32>,
      tpu.vector_store %arg11[%swap3A_254, %swap3A_255], %get3A_222 {strides = array<i32>} : memref<160x128xi32, #tpu.memory_space<vmem>>, vector<16xi32>,
      %max3A_257 = arith.maximumf %max3A, %select_n3A_249 : vector<16xf32>
      %add3A_258 = arith.constant 32 : i32
      %add3A_259 = arith.addi %mul3A_179, %add3A_258 : i32
      %get3A_260 = arith.index_cast %add3A_259 : i32 to index
      %get3A_261 = tpu.vector_load %arg7[%get3A_260] {strides = array<i32>} : memref<20480xi32, #tpu.memory_space<vmem>>, vector<16xi32>,
      %get3A_262 = arith.index_cast %add3A_259 : i32 to index
      %get3A_263 = tpu.vector_load %arg8[%get3A_262] {strides = array<i32>} : memref<20480xi32, #tpu.memory_space<vmem>>, vector<16xi32>,
      %gather3A_264 = tpu.vector_load_idx %arg6[%get3A_261] : memref<10000xf32, #tpu.memory_space<vmem>>[vector<16xi32>], vector<16xf32>,
      %gather3A_265 = tpu.vector_load_idx %arg6[%get3A_263] : memref<10000xf32, #tpu.memory_space<vmem>>[vector<16xi32>], vector<16xf32>,
      %mul3A_266 = arith.mulf %gather3A_264, %gather3A_265 : vector<16xf32>
      %bitcast3A_267 = vector.bitcast %mul3A_266 : vector<16xf32> to vector<16xi32>
      %shift_right_logical3A_268 = arith.constant 16 : i32
      %shift_right_logical3A_269 = vector.broadcast %shift_right_logical3A_268 : i32 to vector<16xi32>
      %shift_right_logical3A_270 = arith.shrui %bitcast3A_267, %shift_right_logical3A_269 : vector<16xi32>
      %and3A_271 = arith.constant 1 : i32
      %and3A_272 = vector.broadcast %and3A_271 : i32 to vector<16xi32>
      %and3A_273 = arith.andi %shift_right_logical3A_270, %and3A_272 : vector<16xi32>
      %add3A_274 = arith.constant 32767 : i32
      %add3A_275 = vector.broadcast %add3A_274 : i32 to vector<16xi32>
      %add3A_276 = arith.addi %and3A_273, %add3A_275 : vector<16xi32>
      %add3A_277 = arith.addi %bitcast3A_267, %add3A_276 : vector<16xi32>
      %and3A_278 = arith.constant -65536 : i32
      %and3A_279 = vector.broadcast %and3A_278 : i32 to vector<16xi32>
      %and3A_280 = arith.andi %add3A_277, %and3A_279 : vector<16xi32>
      %bitcast3A_281 = vector.bitcast %and3A_280 : vector<16xi32> to vector<16xf32>
      %mul3A_282 = vector.broadcast %reduce_sum3A_53 : f32 to vector<16xf32>
      %mul3A_283 = arith.mulf %bitcast3A_281, %mul3A_282 : vector<16xf32>
      %ge3A_284 = arith.constant 0.000000e+00 : f32
      %ge3A_285 = vector.broadcast %ge3A_284 : f32 to vector<16xf32>
      %ge3A_286 = arith.cmpf oge, %mul3A_283, %ge3A_285 : vector<16xf32>
      %mul3A_287 = arith.constant 2.000000e-01 : f32
      %mul3A_288 = vector.broadcast %mul3A_287 : f32 to vector<16xf32>
      %mul3A_289 = arith.mulf %mul3A_283, %mul3A_288 : vector<16xf32>
      %select_n3A_290 = arith.select %ge3A_286, %mul3A_283, %mul3A_289 : vector<16xi1>, vector<16xf32>
      %swap3A_291 = arith.index_cast %add3A_259 : i32 to index
      %swap3A_292 = tpu.vector_load %arg9[%swap3A_291] {strides = array<i32>} : memref<20480xf32, #tpu.memory_space<vmem>>, vector<16xf32>,
      tpu.vector_store %arg9[%swap3A_291], %select_n3A_290 {strides = array<i32>} : memref<20480xf32, #tpu.memory_space<vmem>>, vector<16xf32>,
      %swap3A_293 = arith.index_cast %add3A_259 : i32 to index
      %swap3A_294 = tpu.vector_load %arg10[%swap3A_293] {strides = array<i32>} : memref<20480xf32, #tpu.memory_space<vmem>>, vector<16xf32>,
      tpu.vector_store %arg10[%swap3A_293], %gather3A_264 {strides = array<i32>} : memref<20480xf32, #tpu.memory_space<vmem>>, vector<16xf32>,
      %swap3A_295 = arith.index_cast %scan3A_176 : i32 to index
      %swap3A_296 = arith.constant 32 : index
      %swap3A_297 = tpu.vector_load %arg11[%swap3A_295, %swap3A_296] {strides = array<i32>} : memref<160x128xi32, #tpu.memory_space<vmem>>, vector<16xi32>,
      tpu.vector_store %arg11[%swap3A_295, %swap3A_296], %get3A_263 {strides = array<i32>} : memref<160x128xi32, #tpu.memory_space<vmem>>, vector<16xi32>,
      %max3A_298 = arith.maximumf %max3A_257, %select_n3A_290 : vector<16xf32>
      %add3A_299 = arith.constant 48 : i32
      %add3A_300 = arith.addi %mul3A_179, %add3A_299 : i32
      %get3A_301 = arith.index_cast %add3A_300 : i32 to index
      %get3A_302 = tpu.vector_load %arg7[%get3A_301] {strides = array<i32>} : memref<20480xi32, #tpu.memory_space<vmem>>, vector<16xi32>,
      %get3A_303 = arith.index_cast %add3A_300 : i32 to index
      %get3A_304 = tpu.vector_load %arg8[%get3A_303] {strides = array<i32>} : memref<20480xi32, #tpu.memory_space<vmem>>, vector<16xi32>,
      %gather3A_305 = tpu.vector_load_idx %arg6[%get3A_302] : memref<10000xf32, #tpu.memory_space<vmem>>[vector<16xi32>], vector<16xf32>,
      %gather3A_306 = tpu.vector_load_idx %arg6[%get3A_304] : memref<10000xf32, #tpu.memory_space<vmem>>[vector<16xi32>], vector<16xf32>,
      %mul3A_307 = arith.mulf %gather3A_305, %gather3A_306 : vector<16xf32>
      %bitcast3A_308 = vector.bitcast %mul3A_307 : vector<16xf32> to vector<16xi32>
      %shift_right_logical3A_309 = arith.constant 16 : i32
      %shift_right_logical3A_310 = vector.broadcast %shift_right_logical3A_309 : i32 to vector<16xi32>
      %shift_right_logical3A_311 = arith.shrui %bitcast3A_308, %shift_right_logical3A_310 : vector<16xi32>
      %and3A_312 = arith.constant 1 : i32
      %and3A_313 = vector.broadcast %and3A_312 : i32 to vector<16xi32>
      %and3A_314 = arith.andi %shift_right_logical3A_311, %and3A_313 : vector<16xi32>
      %add3A_315 = arith.constant 32767 : i32
      %add3A_316 = vector.broadcast %add3A_315 : i32 to vector<16xi32>
      %add3A_317 = arith.addi %and3A_314, %add3A_316 : vector<16xi32>
      %add3A_318 = arith.addi %bitcast3A_308, %add3A_317 : vector<16xi32>
      %and3A_319 = arith.constant -65536 : i32
      %and3A_320 = vector.broadcast %and3A_319 : i32 to vector<16xi32>
      %and3A_321 = arith.andi %add3A_318, %and3A_320 : vector<16xi32>
      %bitcast3A_322 = vector.bitcast %and3A_321 : vector<16xi32> to vector<16xf32>
      %mul3A_323 = vector.broadcast %reduce_sum3A_53 : f32 to vector<16xf32>
      %mul3A_324 = arith.mulf %bitcast3A_322, %mul3A_323 : vector<16xf32>
      %ge3A_325 = arith.constant 0.000000e+00 : f32
      %ge3A_326 = vector.broadcast %ge3A_325 : f32 to vector<16xf32>
      %ge3A_327 = arith.cmpf oge, %mul3A_324, %ge3A_326 : vector<16xf32>
      %mul3A_328 = arith.constant 2.000000e-01 : f32
      %mul3A_329 = vector.broadcast %mul3A_328 : f32 to vector<16xf32>
      %mul3A_330 = arith.mulf %mul3A_324, %mul3A_329 : vector<16xf32>
      %select_n3A_331 = arith.select %ge3A_327, %mul3A_324, %mul3A_330 : vector<16xi1>, vector<16xf32>
      %swap3A_332 = arith.index_cast %add3A_300 : i32 to index
      %swap3A_333 = tpu.vector_load %arg9[%swap3A_332] {strides = array<i32>} : memref<20480xf32, #tpu.memory_space<vmem>>, vector<16xf32>,
      tpu.vector_store %arg9[%swap3A_332], %select_n3A_331 {strides = array<i32>} : memref<20480xf32, #tpu.memory_space<vmem>>, vector<16xf32>,
      %swap3A_334 = arith.index_cast %add3A_300 : i32 to index
      %swap3A_335 = tpu.vector_load %arg10[%swap3A_334] {strides = array<i32>} : memref<20480xf32, #tpu.memory_space<vmem>>, vector<16xf32>,
      tpu.vector_store %arg10[%swap3A_334], %gather3A_305 {strides = array<i32>} : memref<20480xf32, #tpu.memory_space<vmem>>, vector<16xf32>,
      %swap3A_336 = arith.index_cast %scan3A_176 : i32 to index
      %swap3A_337 = arith.constant 48 : index
      %swap3A_338 = tpu.vector_load %arg11[%swap3A_336, %swap3A_337] {strides = array<i32>} : memref<160x128xi32, #tpu.memory_space<vmem>>, vector<16xi32>,
      tpu.vector_store %arg11[%swap3A_336, %swap3A_337], %get3A_304 {strides = array<i32>} : memref<160x128xi32, #tpu.memory_space<vmem>>, vector<16xi32>,
      %max3A_339 = arith.maximumf %max3A_298, %select_n3A_331 : vector<16xf32>
      %add3A_340 = arith.constant 64 : i32
      %add3A_341 = arith.addi %mul3A_179, %add3A_340 : i32
      %get3A_342 = arith.index_cast %add3A_341 : i32 to index
      %get3A_343 = tpu.vector_load %arg7[%get3A_342] {strides = array<i32>} : memref<20480xi32, #tpu.memory_space<vmem>>, vector<16xi32>,
      %get3A_344 = arith.index_cast %add3A_341 : i32 to index
      %get3A_345 = tpu.vector_load %arg8[%get3A_344] {strides = array<i32>} : memref<20480xi32, #tpu.memory_space<vmem>>, vector<16xi32>,
      %gather3A_346 = tpu.vector_load_idx %arg6[%get3A_343] : memref<10000xf32, #tpu.memory_space<vmem>>[vector<16xi32>], vector<16xf32>,
      %gather3A_347 = tpu.vector_load_idx %arg6[%get3A_345] : memref<10000xf32, #tpu.memory_space<vmem>>[vector<16xi32>], vector<16xf32>,
      %mul3A_348 = arith.mulf %gather3A_346, %gather3A_347 : vector<16xf32>
      %bitcast3A_349 = vector.bitcast %mul3A_348 : vector<16xf32> to vector<16xi32>
      %shift_right_logical3A_350 = arith.constant 16 : i32
      %shift_right_logical3A_351 = vector.broadcast %shift_right_logical3A_350 : i32 to vector<16xi32>
      %shift_right_logical3A_352 = arith.shrui %bitcast3A_349, %shift_right_logical3A_351 : vector<16xi32>
      %and3A_353 = arith.constant 1 : i32
      %and3A_354 = vector.broadcast %and3A_353 : i32 to vector<16xi32>
      %and3A_355 = arith.andi %shift_right_logical3A_352, %and3A_354 : vector<16xi32>
      %add3A_356 = arith.constant 32767 : i32
      %add3A_357 = vector.broadcast %add3A_356 : i32 to vector<16xi32>
      %add3A_358 = arith.addi %and3A_355, %add3A_357 : vector<16xi32>
      %add3A_359 = arith.addi %bitcast3A_349, %add3A_358 : vector<16xi32>
      %and3A_360 = arith.constant -65536 : i32
      %and3A_361 = vector.broadcast %and3A_360 : i32 to vector<16xi32>
      %and3A_362 = arith.andi %add3A_359, %and3A_361 : vector<16xi32>
      %bitcast3A_363 = vector.bitcast %and3A_362 : vector<16xi32> to vector<16xf32>
      %mul3A_364 = vector.broadcast %reduce_sum3A_53 : f32 to vector<16xf32>
      %mul3A_365 = arith.mulf %bitcast3A_363, %mul3A_364 : vector<16xf32>
      %ge3A_366 = arith.constant 0.000000e+00 : f32
      %ge3A_367 = vector.broadcast %ge3A_366 : f32 to vector<16xf32>
      %ge3A_368 = arith.cmpf oge, %mul3A_365, %ge3A_367 : vector<16xf32>
      %mul3A_369 = arith.constant 2.000000e-01 : f32
      %mul3A_370 = vector.broadcast %mul3A_369 : f32 to vector<16xf32>
      %mul3A_371 = arith.mulf %mul3A_365, %mul3A_370 : vector<16xf32>
      %select_n3A_372 = arith.select %ge3A_368, %mul3A_365, %mul3A_371 : vector<16xi1>, vector<16xf32>
      %swap3A_373 = arith.index_cast %add3A_341 : i32 to index
      %swap3A_374 = tpu.vector_load %arg9[%swap3A_373] {strides = array<i32>} : memref<20480xf32, #tpu.memory_space<vmem>>, vector<16xf32>,
      tpu.vector_store %arg9[%swap3A_373], %select_n3A_372 {strides = array<i32>} : memref<20480xf32, #tpu.memory_space<vmem>>, vector<16xf32>,
      %swap3A_375 = arith.index_cast %add3A_341 : i32 to index
      %swap3A_376 = tpu.vector_load %arg10[%swap3A_375] {strides = array<i32>} : memref<20480xf32, #tpu.memory_space<vmem>>, vector<16xf32>,
      tpu.vector_store %arg10[%swap3A_375], %gather3A_346 {strides = array<i32>} : memref<20480xf32, #tpu.memory_space<vmem>>, vector<16xf32>,
      %swap3A_377 = arith.index_cast %scan3A_176 : i32 to index
      %swap3A_378 = arith.constant 64 : index
      %swap3A_379 = tpu.vector_load %arg11[%swap3A_377, %swap3A_378] {strides = array<i32>} : memref<160x128xi32, #tpu.memory_space<vmem>>, vector<16xi32>,
      tpu.vector_store %arg11[%swap3A_377, %swap3A_378], %get3A_345 {strides = array<i32>} : memref<160x128xi32, #tpu.memory_space<vmem>>, vector<16xi32>,
      %max3A_380 = arith.maximumf %max3A_339, %select_n3A_372 : vector<16xf32>
      %add3A_381 = arith.constant 80 : i32
      %add3A_382 = arith.addi %mul3A_179, %add3A_381 : i32
      %get3A_383 = arith.index_cast %add3A_382 : i32 to index
      %get3A_384 = tpu.vector_load %arg7[%get3A_383] {strides = array<i32>} : memref<20480xi32, #tpu.memory_space<vmem>>, vector<16xi32>,
      %get3A_385 = arith.index_cast %add3A_382 : i32 to index
      %get3A_386 = tpu.vector_load %arg8[%get3A_385] {strides = array<i32>} : memref<20480xi32, #tpu.memory_space<vmem>>, vector<16xi32>,
      %gather3A_387 = tpu.vector_load_idx %arg6[%get3A_384] : memref<10000xf32, #tpu.memory_space<vmem>>[vector<16xi32>], vector<16xf32>,
      %gather3A_388 = tpu.vector_load_idx %arg6[%get3A_386] : memref<10000xf32, #tpu.memory_space<vmem>>[vector<16xi32>], vector<16xf32>,
      %mul3A_389 = arith.mulf %gather3A_387, %gather3A_388 : vector<16xf32>
      %bitcast3A_390 = vector.bitcast %mul3A_389 : vector<16xf32> to vector<16xi32>
      %shift_right_logical3A_391 = arith.constant 16 : i32
      %shift_right_logical3A_392 = vector.broadcast %shift_right_logical3A_391 : i32 to vector<16xi32>
      %shift_right_logical3A_393 = arith.shrui %bitcast3A_390, %shift_right_logical3A_392 : vector<16xi32>
      %and3A_394 = arith.constant 1 : i32
      %and3A_395 = vector.broadcast %and3A_394 : i32 to vector<16xi32>
      %and3A_396 = arith.andi %shift_right_logical3A_393, %and3A_395 : vector<16xi32>
      %add3A_397 = arith.constant 32767 : i32
      %add3A_398 = vector.broadcast %add3A_397 : i32 to vector<16xi32>
      %add3A_399 = arith.addi %and3A_396, %add3A_398 : vector<16xi32>
      %add3A_400 = arith.addi %bitcast3A_390, %add3A_399 : vector<16xi32>
      %and3A_401 = arith.constant -65536 : i32
      %and3A_402 = vector.broadcast %and3A_401 : i32 to vector<16xi32>
      %and3A_403 = arith.andi %add3A_400, %and3A_402 : vector<16xi32>
      %bitcast3A_404 = vector.bitcast %and3A_403 : vector<16xi32> to vector<16xf32>
      %mul3A_405 = vector.broadcast %reduce_sum3A_53 : f32 to vector<16xf32>
      %mul3A_406 = arith.mulf %bitcast3A_404, %mul3A_405 : vector<16xf32>
      %ge3A_407 = arith.constant 0.000000e+00 : f32
      %ge3A_408 = vector.broadcast %ge3A_407 : f32 to vector<16xf32>
      %ge3A_409 = arith.cmpf oge, %mul3A_406, %ge3A_408 : vector<16xf32>
      %mul3A_410 = arith.constant 2.000000e-01 : f32
      %mul3A_411 = vector.broadcast %mul3A_410 : f32 to vector<16xf32>
      %mul3A_412 = arith.mulf %mul3A_406, %mul3A_411 : vector<16xf32>
      %select_n3A_413 = arith.select %ge3A_409, %mul3A_406, %mul3A_412 : vector<16xi1>, vector<16xf32>
      %swap3A_414 = arith.index_cast %add3A_382 : i32 to index
      %swap3A_415 = tpu.vector_load %arg9[%swap3A_414] {strides = array<i32>} : memref<20480xf32, #tpu.memory_space<vmem>>, vector<16xf32>,
      tpu.vector_store %arg9[%swap3A_414], %select_n3A_413 {strides = array<i32>} : memref<20480xf32, #tpu.memory_space<vmem>>, vector<16xf32>,
      %swap3A_416 = arith.index_cast %add3A_382 : i32 to index
      %swap3A_417 = tpu.vector_load %arg10[%swap3A_416] {strides = array<i32>} : memref<20480xf32, #tpu.memory_space<vmem>>, vector<16xf32>,
      tpu.vector_store %arg10[%swap3A_416], %gather3A_387 {strides = array<i32>} : memref<20480xf32, #tpu.memory_space<vmem>>, vector<16xf32>,
      %swap3A_418 = arith.index_cast %scan3A_176 : i32 to index
      %swap3A_419 = arith.constant 80 : index
      %swap3A_420 = tpu.vector_load %arg11[%swap3A_418, %swap3A_419] {strides = array<i32>} : memref<160x128xi32, #tpu.memory_space<vmem>>, vector<16xi32>,
      tpu.vector_store %arg11[%swap3A_418, %swap3A_419], %get3A_386 {strides = array<i32>} : memref<160x128xi32, #tpu.memory_space<vmem>>, vector<16xi32>,
      %max3A_421 = arith.maximumf %max3A_380, %select_n3A_413 : vector<16xf32>
      %add3A_422 = arith.constant 96 : i32
      %add3A_423 = arith.addi %mul3A_179, %add3A_422 : i32
      %get3A_424 = arith.index_cast %add3A_423 : i32 to index
      %get3A_425 = tpu.vector_load %arg7[%get3A_424] {strides = array<i32>} : memref<20480xi32, #tpu.memory_space<vmem>>, vector<16xi32>,
      %get3A_426 = arith.index_cast %add3A_423 : i32 to index
      %get3A_427 = tpu.vector_load %arg8[%get3A_426] {strides = array<i32>} : memref<20480xi32, #tpu.memory_space<vmem>>, vector<16xi32>,
      %gather3A_428 = tpu.vector_load_idx %arg6[%get3A_425] : memref<10000xf32, #tpu.memory_space<vmem>>[vector<16xi32>], vector<16xf32>,
      %gather3A_429 = tpu.vector_load_idx %arg6[%get3A_427] : memref<10000xf32, #tpu.memory_space<vmem>>[vector<16xi32>], vector<16xf32>,
      %mul3A_430 = arith.mulf %gather3A_428, %gather3A_429 : vector<16xf32>
      %bitcast3A_431 = vector.bitcast %mul3A_430 : vector<16xf32> to vector<16xi32>
      %shift_right_logical3A_432 = arith.constant 16 : i32
      %shift_right_logical3A_433 = vector.broadcast %shift_right_logical3A_432 : i32 to vector<16xi32>
      %shift_right_logical3A_434 = arith.shrui %bitcast3A_431, %shift_right_logical3A_433 : vector<16xi32>
      %and3A_435 = arith.constant 1 : i32
      %and3A_436 = vector.broadcast %and3A_435 : i32 to vector<16xi32>
      %and3A_437 = arith.andi %shift_right_logical3A_434, %and3A_436 : vector<16xi32>
      %add3A_438 = arith.constant 32767 : i32
      %add3A_439 = vector.broadcast %add3A_438 : i32 to vector<16xi32>
      %add3A_440 = arith.addi %and3A_437, %add3A_439 : vector<16xi32>
      %add3A_441 = arith.addi %bitcast3A_431, %add3A_440 : vector<16xi32>
      %and3A_442 = arith.constant -65536 : i32
      %and3A_443 = vector.broadcast %and3A_442 : i32 to vector<16xi32>
      %and3A_444 = arith.andi %add3A_441, %and3A_443 : vector<16xi32>
      %bitcast3A_445 = vector.bitcast %and3A_444 : vector<16xi32> to vector<16xf32>
      %mul3A_446 = vector.broadcast %reduce_sum3A_53 : f32 to vector<16xf32>
      %mul3A_447 = arith.mulf %bitcast3A_445, %mul3A_446 : vector<16xf32>
      %ge3A_448 = arith.constant 0.000000e+00 : f32
      %ge3A_449 = vector.broadcast %ge3A_448 : f32 to vector<16xf32>
      %ge3A_450 = arith.cmpf oge, %mul3A_447, %ge3A_449 : vector<16xf32>
      %mul3A_451 = arith.constant 2.000000e-01 : f32
      %mul3A_452 = vector.broadcast %mul3A_451 : f32 to vector<16xf32>
      %mul3A_453 = arith.mulf %mul3A_447, %mul3A_452 : vector<16xf32>
      %select_n3A_454 = arith.select %ge3A_450, %mul3A_447, %mul3A_453 : vector<16xi1>, vector<16xf32>
      %swap3A_455 = arith.index_cast %add3A_423 : i32 to index
      %swap3A_456 = tpu.vector_load %arg9[%swap3A_455] {strides = array<i32>} : memref<20480xf32, #tpu.memory_space<vmem>>, vector<16xf32>,
      tpu.vector_store %arg9[%swap3A_455], %select_n3A_454 {strides = array<i32>} : memref<20480xf32, #tpu.memory_space<vmem>>, vector<16xf32>,
      %swap3A_457 = arith.index_cast %add3A_423 : i32 to index
      %swap3A_458 = tpu.vector_load %arg10[%swap3A_457] {strides = array<i32>} : memref<20480xf32, #tpu.memory_space<vmem>>, vector<16xf32>,
      tpu.vector_store %arg10[%swap3A_457], %gather3A_428 {strides = array<i32>} : memref<20480xf32, #tpu.memory_space<vmem>>, vector<16xf32>,
      %swap3A_459 = arith.index_cast %scan3A_176 : i32 to index
      %swap3A_460 = arith.constant 96 : index
      %swap3A_461 = tpu.vector_load %arg11[%swap3A_459, %swap3A_460] {strides = array<i32>} : memref<160x128xi32, #tpu.memory_space<vmem>>, vector<16xi32>,
      tpu.vector_store %arg11[%swap3A_459, %swap3A_460], %get3A_427 {strides = array<i32>} : memref<160x128xi32, #tpu.memory_space<vmem>>, vector<16xi32>,
      %max3A_462 = arith.maximumf %max3A_421, %select_n3A_454 : vector<16xf32>
      %add3A_463 = arith.constant 112 : i32
      %add3A_464 = arith.addi %mul3A_179, %add3A_463 : i32
      %get3A_465 = arith.index_cast %add3A_464 : i32 to index
      %get3A_466 = tpu.vector_load %arg7[%get3A_465] {strides = array<i32>} : memref<20480xi32, #tpu.memory_space<vmem>>, vector<16xi32>,
      %get3A_467 = arith.index_cast %add3A_464 : i32 to index
      %get3A_468 = tpu.vector_load %arg8[%get3A_467] {strides = array<i32>} : memref<20480xi32, #tpu.memory_space<vmem>>, vector<16xi32>,
      %gather3A_469 = tpu.vector_load_idx %arg6[%get3A_466] : memref<10000xf32, #tpu.memory_space<vmem>>[vector<16xi32>], vector<16xf32>,
      %gather3A_470 = tpu.vector_load_idx %arg6[%get3A_468] : memref<10000xf32, #tpu.memory_space<vmem>>[vector<16xi32>], vector<16xf32>,
      %mul3A_471 = arith.mulf %gather3A_469, %gather3A_470 : vector<16xf32>
      %bitcast3A_472 = vector.bitcast %mul3A_471 : vector<16xf32> to vector<16xi32>
      %shift_right_logical3A_473 = arith.constant 16 : i32
      %shift_right_logical3A_474 = vector.broadcast %shift_right_logical3A_473 : i32 to vector<16xi32>
      %shift_right_logical3A_475 = arith.shrui %bitcast3A_472, %shift_right_logical3A_474 : vector<16xi32>
      %and3A_476 = arith.constant 1 : i32
      %and3A_477 = vector.broadcast %and3A_476 : i32 to vector<16xi32>
      %and3A_478 = arith.andi %shift_right_logical3A_475, %and3A_477 : vector<16xi32>
      %add3A_479 = arith.constant 32767 : i32
      %add3A_480 = vector.broadcast %add3A_479 : i32 to vector<16xi32>
      %add3A_481 = arith.addi %and3A_478, %add3A_480 : vector<16xi32>
      %add3A_482 = arith.addi %bitcast3A_472, %add3A_481 : vector<16xi32>
      %and3A_483 = arith.constant -65536 : i32
      %and3A_484 = vector.broadcast %and3A_483 : i32 to vector<16xi32>
      %and3A_485 = arith.andi %add3A_482, %and3A_484 : vector<16xi32>
      %bitcast3A_486 = vector.bitcast %and3A_485 : vector<16xi32> to vector<16xf32>
      %mul3A_487 = vector.broadcast %reduce_sum3A_53 : f32 to vector<16xf32>
      %mul3A_488 = arith.mulf %bitcast3A_486, %mul3A_487 : vector<16xf32>
      %ge3A_489 = arith.constant 0.000000e+00 : f32
      %ge3A_490 = vector.broadcast %ge3A_489 : f32 to vector<16xf32>
      %ge3A_491 = arith.cmpf oge, %mul3A_488, %ge3A_490 : vector<16xf32>
      %mul3A_492 = arith.constant 2.000000e-01 : f32
      %mul3A_493 = vector.broadcast %mul3A_492 : f32 to vector<16xf32>
      %mul3A_494 = arith.mulf %mul3A_488, %mul3A_493 : vector<16xf32>
      %select_n3A_495 = arith.select %ge3A_491, %mul3A_488, %mul3A_494 : vector<16xi1>, vector<16xf32>
      %swap3A_496 = arith.index_cast %add3A_464 : i32 to index
      %swap3A_497 = tpu.vector_load %arg9[%swap3A_496] {strides = array<i32>} : memref<20480xf32, #tpu.memory_space<vmem>>, vector<16xf32>,
      tpu.vector_store %arg9[%swap3A_496], %select_n3A_495 {strides = array<i32>} : memref<20480xf32, #tpu.memory_space<vmem>>, vector<16xf32>,
      %swap3A_498 = arith.index_cast %add3A_464 : i32 to index
      %swap3A_499 = tpu.vector_load %arg10[%swap3A_498] {strides = array<i32>} : memref<20480xf32, #tpu.memory_space<vmem>>, vector<16xf32>,
      tpu.vector_store %arg10[%swap3A_498], %gather3A_469 {strides = array<i32>} : memref<20480xf32, #tpu.memory_space<vmem>>, vector<16xf32>,
      %swap3A_500 = arith.index_cast %scan3A_176 : i32 to index
      %swap3A_501 = arith.constant 112 : index
      %swap3A_502 = tpu.vector_load %arg11[%swap3A_500, %swap3A_501] {strides = array<i32>} : memref<160x128xi32, #tpu.memory_space<vmem>>, vector<16xi32>,
      tpu.vector_store %arg11[%swap3A_500, %swap3A_501], %get3A_468 {strides = array<i32>} : memref<160x128xi32, #tpu.memory_space<vmem>>, vector<16xi32>,
      %max3A_503 = arith.maximumf %max3A_462, %select_n3A_495 : vector<16xf32>
      scf.yield %max3A_503 : vector<16xf32>
    }
    %scan3A_61 = arith.constant 160 : i32
    %swap3A = arith.constant 0 : index
    %swap3A_62 = tpu.vector_load %arg13[%swap3A] {strides = array<i32>} : memref<16xf32, #tpu.memory_space<vmem>>, vector<16xf32>,
    tpu.vector_store %arg13[%swap3A], %scan3A_60 {strides = array<i32>} : memref<16xf32, #tpu.memory_space<vmem>>, vector<16xf32>,
    %mul3A_63 = arith.constant 16 : i32
    %mul3A_64 = arith.muli %arg1, %mul3A_63 : i32
    "tpu.region"() ({
      %run_scoped3A = tpu.sem_alloc : memref<!tpu.dma_semaphore, #tpu.memory_space<semaphore_mem>>
      %dma_start3A_176 = tpu.memref_slice %arg18[%mul3A_64] : memref<512xf32, #tpu.memory_space<vmem_shared>> -> memref<16xf32, #tpu.memory_space<vmem_shared>>
      %dma_start3A_177 = tpu.memref_slice %arg18[%mul3A_64] : memref<512xf32, #tpu.memory_space<vmem_shared>> -> memref<16xf32, #tpu.memory_space<vmem_shared>>
      tpu.enqueue_dma source(%arg13 : memref<16xf32, #tpu.memory_space<vmem>>) target(%dma_start3A_177 : memref<16xf32, #tpu.memory_space<vmem_shared>>) target_semaphore(%run_scoped3A : memref<!tpu.dma_semaphore, #tpu.memory_space<semaphore_mem>>)
      %dma_wait3A_178 = tpu.memref_slice %arg18[%mul3A_64] : memref<512xf32, #tpu.memory_space<vmem_shared>> -> memref<16xf32, #tpu.memory_space<vmem_shared>>
      %dma_wait3A_179 = tpu.memref_slice %arg18[%mul3A_64] : memref<512xf32, #tpu.memory_space<vmem_shared>> -> memref<16xf32, #tpu.memory_space<vmem_shared>>
      tpu.wait_dma2 semaphore(%run_scoped3A : memref<!tpu.dma_semaphore, #tpu.memory_space<semaphore_mem>>) src(%arg13 : memref<16xf32, #tpu.memory_space<vmem>>) dst(%dma_wait3A_179 : memref<16xf32, #tpu.memory_space<vmem_shared>>)
      tpu.yield
    }) : () -> ()
    %barrier3A = arith.constant 0 : index
    tpu.barrier barrier_id(%barrier3A)
    "tpu.region"() ({
      %run_scoped3A = tpu.sem_alloc : memref<!tpu.dma_semaphore, #tpu.memory_space<semaphore_mem>>
      %dma_start3A_176 = arith.constant 0 : i32
      %dma_start3A_177 = tpu.memref_slice %arg18[%dma_start3A_176] : memref<512xf32, #tpu.memory_space<vmem_shared>> -> memref<256xf32, #tpu.memory_space<vmem_shared>>
      %dma_start3A_178 = arith.constant 0 : i32
      %dma_start3A_179 = tpu.memref_slice %arg18[%dma_start3A_178] : memref<512xf32, #tpu.memory_space<vmem_shared>> -> memref<256xf32, #tpu.memory_space<vmem_shared>>
      tpu.enqueue_dma source(%dma_start3A_179 : memref<256xf32, #tpu.memory_space<vmem_shared>>) target(%arg14 : memref<256xf32, #tpu.memory_space<vmem>>) target_semaphore(%run_scoped3A : memref<!tpu.dma_semaphore, #tpu.memory_space<semaphore_mem>>)
      %dma_wait3A_180 = arith.constant 0 : i32
      %dma_wait3A_181 = tpu.memref_slice %arg18[%dma_wait3A_180] : memref<512xf32, #tpu.memory_space<vmem_shared>> -> memref<256xf32, #tpu.memory_space<vmem_shared>>
      %dma_wait3A_182 = arith.constant 0 : i32
      %dma_wait3A_183 = tpu.memref_slice %arg18[%dma_wait3A_182] : memref<512xf32, #tpu.memory_space<vmem_shared>> -> memref<256xf32, #tpu.memory_space<vmem_shared>>
      tpu.wait_dma2 semaphore(%run_scoped3A : memref<!tpu.dma_semaphore, #tpu.memory_space<semaphore_mem>>) src(%dma_wait3A_183 : memref<256xf32, #tpu.memory_space<vmem_shared>>) dst(%arg14 : memref<256xf32, #tpu.memory_space<vmem>>)
      tpu.yield
    }) : () -> ()
    %broadcast_in_dim3A_65 = arith.constant 0xFF800000 : f32
    %broadcast_in_dim3A_66 = vector.broadcast %broadcast_in_dim3A_65 : f32 to vector<16xf32>
    %scan3A_67 = arith.constant 0 : i32
    %scan3A_68 = arith.constant 16 : i32
    %scan3A_69 = arith.addi %scan3A_67, %scan3A_68 : i32
    %scan3A_70 = arith.constant 1 : i32
    %scan3A_71 = scf.for %scan3A_176 = %scan3A_67 to %scan3A_69 step %scan3A_70 iter_args(%scan3A_177 = %broadcast_in_dim3A_66) -> (vector<16xf32>)  : i32 {
      %mul3A_178 = arith.constant 16 : i32
      %mul3A_179 = arith.muli %scan3A_176, %mul3A_178 : i32
      %get3A_180 = arith.index_cast %mul3A_179 : i32 to index
      %get3A_181 = tpu.vector_load %arg14[%get3A_180] {strides = array<i32>} : memref<256xf32, #tpu.memory_space<vmem>>, vector<16xf32>,
      %max3A = arith.maximumf %scan3A_177, %get3A_181 : vector<16xf32>
      scf.yield %max3A : vector<16xf32>
    }
    %scan3A_72 = arith.constant 16 : i32
    %reduce_max3A = arith.constant true
    %reduce_max3A_73 = vector.broadcast %reduce_max3A : i1 to vector<16xi1>
    %reduce_max3A_74 = tpu.scan <max>, %scan3A_71 masked %reduce_max3A_73 : vector<16xf32>, vector<16xi1> -> vector<16xf32>
    %reduce_max3A_75 = vector.extract %reduce_max3A_74[15] : f32 from vector<16xf32>
    %broadcast_in_dim3A_76 = arith.constant 0.000000e+00 : f32
    %broadcast_in_dim3A_77 = vector.broadcast %broadcast_in_dim3A_76 : f32 to vector<16xf32>
    %scan3A_78 = arith.constant 0 : i32
    %scan3A_79 = arith.constant 160 : i32
    %scan3A_80 = arith.addi %scan3A_78, %scan3A_79 : i32
    %scan3A_81 = arith.constant 1 : i32
    %scan3A_82 = scf.for %scan3A_176 = %scan3A_78 to %scan3A_80 step %scan3A_81 iter_args(%scan3A_177 = %broadcast_in_dim3A_77) -> (vector<16xf32>)  : i32 {
      %mul3A_178 = arith.constant 128 : i32
      %mul3A_179 = arith.muli %scan3A_176, %mul3A_178 : i32
      %add3A_180 = arith.constant 0 : i32
      %add3A_181 = arith.addi %mul3A_179, %add3A_180 : i32
      %get3A_182 = arith.index_cast %add3A_181 : i32 to index
      %get3A_183 = tpu.vector_load %arg9[%get3A_182] {strides = array<i32>} : memref<20480xf32, #tpu.memory_space<vmem>>, vector<16xf32>,
      %sub3A = vector.broadcast %reduce_max3A_75 : f32 to vector<16xf32>
      %sub3A_184 = arith.subf %get3A_183, %sub3A : vector<16xf32>
      %exp3A = math.exp %sub3A_184 : vector<16xf32>
      %lt3A = arith.constant 20000 : i32
      %lt3A_185 = arith.cmpi slt, %add3A_181, %lt3A : i32
      %jit3A = arith.constant 0.000000e+00 : f32
      %broadcast_in_dim3A_186 = vector.broadcast %jit3A : f32 to vector<16xf32>
      %select_n3A = arith.select %lt3A_185, %exp3A, %broadcast_in_dim3A_186 : vector<16xf32>
      %get3A_187 = arith.index_cast %add3A_181 : i32 to index
      %get3A_188 = tpu.vector_load %arg10[%get3A_187] {strides = array<i32>} : memref<20480xf32, #tpu.memory_space<vmem>>, vector<16xf32>,
      %mul3A_189 = arith.mulf %select_n3A, %get3A_188 : vector<16xf32>
      %swap3A_190 = arith.index_cast %add3A_181 : i32 to index
      %swap3A_191 = tpu.vector_load %arg9[%swap3A_190] {strides = array<i32>} : memref<20480xf32, #tpu.memory_space<vmem>>, vector<16xf32>,
      tpu.vector_store %arg9[%swap3A_190], %mul3A_189 {strides = array<i32>} : memref<20480xf32, #tpu.memory_space<vmem>>, vector<16xf32>,
      %add3A_192 = arith.addf %scan3A_177, %select_n3A : vector<16xf32>
      %add3A_193 = arith.constant 16 : i32
      %add3A_194 = arith.addi %mul3A_179, %add3A_193 : i32
      %get3A_195 = arith.index_cast %add3A_194 : i32 to index
      %get3A_196 = tpu.vector_load %arg9[%get3A_195] {strides = array<i32>} : memref<20480xf32, #tpu.memory_space<vmem>>, vector<16xf32>,
      %sub3A_197 = vector.broadcast %reduce_max3A_75 : f32 to vector<16xf32>
      %sub3A_198 = arith.subf %get3A_196, %sub3A_197 : vector<16xf32>
      %exp3A_199 = math.exp %sub3A_198 : vector<16xf32>
      %lt3A_200 = arith.constant 20000 : i32
      %lt3A_201 = arith.cmpi slt, %add3A_194, %lt3A_200 : i32
      %jit3A_202 = arith.constant 0.000000e+00 : f32
      %broadcast_in_dim3A_203 = vector.broadcast %jit3A_202 : f32 to vector<16xf32>
      %select_n3A_204 = arith.select %lt3A_201, %exp3A_199, %broadcast_in_dim3A_203 : vector<16xf32>
      %get3A_205 = arith.index_cast %add3A_194 : i32 to index
      %get3A_206 = tpu.vector_load %arg10[%get3A_205] {strides = array<i32>} : memref<20480xf32, #tpu.memory_space<vmem>>, vector<16xf32>,
      %mul3A_207 = arith.mulf %select_n3A_204, %get3A_206 : vector<16xf32>
      %swap3A_208 = arith.index_cast %add3A_194 : i32 to index
      %swap3A_209 = tpu.vector_load %arg9[%swap3A_208] {strides = array<i32>} : memref<20480xf32, #tpu.memory_space<vmem>>, vector<16xf32>,
      tpu.vector_store %arg9[%swap3A_208], %mul3A_207 {strides = array<i32>} : memref<20480xf32, #tpu.memory_space<vmem>>, vector<16xf32>,
      %add3A_210 = arith.addf %add3A_192, %select_n3A_204 : vector<16xf32>
      %add3A_211 = arith.constant 32 : i32
      %add3A_212 = arith.addi %mul3A_179, %add3A_211 : i32
      %get3A_213 = arith.index_cast %add3A_212 : i32 to index
      %get3A_214 = tpu.vector_load %arg9[%get3A_213] {strides = array<i32>} : memref<20480xf32, #tpu.memory_space<vmem>>, vector<16xf32>,
      %sub3A_215 = vector.broadcast %reduce_max3A_75 : f32 to vector<16xf32>
      %sub3A_216 = arith.subf %get3A_214, %sub3A_215 : vector<16xf32>
      %exp3A_217 = math.exp %sub3A_216 : vector<16xf32>
      %lt3A_218 = arith.constant 20000 : i32
      %lt3A_219 = arith.cmpi slt, %add3A_212, %lt3A_218 : i32
      %jit3A_220 = arith.constant 0.000000e+00 : f32
      %broadcast_in_dim3A_221 = vector.broadcast %jit3A_220 : f32 to vector<16xf32>
      %select_n3A_222 = arith.select %lt3A_219, %exp3A_217, %broadcast_in_dim3A_221 : vector<16xf32>
      %get3A_223 = arith.index_cast %add3A_212 : i32 to index
      %get3A_224 = tpu.vector_load %arg10[%get3A_223] {strides = array<i32>} : memref<20480xf32, #tpu.memory_space<vmem>>, vector<16xf32>,
      %mul3A_225 = arith.mulf %select_n3A_222, %get3A_224 : vector<16xf32>
      %swap3A_226 = arith.index_cast %add3A_212 : i32 to index
      %swap3A_227 = tpu.vector_load %arg9[%swap3A_226] {strides = array<i32>} : memref<20480xf32, #tpu.memory_space<vmem>>, vector<16xf32>,
      tpu.vector_store %arg9[%swap3A_226], %mul3A_225 {strides = array<i32>} : memref<20480xf32, #tpu.memory_space<vmem>>, vector<16xf32>,
      %add3A_228 = arith.addf %add3A_210, %select_n3A_222 : vector<16xf32>
      %add3A_229 = arith.constant 48 : i32
      %add3A_230 = arith.addi %mul3A_179, %add3A_229 : i32
      %get3A_231 = arith.index_cast %add3A_230 : i32 to index
      %get3A_232 = tpu.vector_load %arg9[%get3A_231] {strides = array<i32>} : memref<20480xf32, #tpu.memory_space<vmem>>, vector<16xf32>,
      %sub3A_233 = vector.broadcast %reduce_max3A_75 : f32 to vector<16xf32>
      %sub3A_234 = arith.subf %get3A_232, %sub3A_233 : vector<16xf32>
      %exp3A_235 = math.exp %sub3A_234 : vector<16xf32>
      %lt3A_236 = arith.constant 20000 : i32
      %lt3A_237 = arith.cmpi slt, %add3A_230, %lt3A_236 : i32
      %jit3A_238 = arith.constant 0.000000e+00 : f32
      %broadcast_in_dim3A_239 = vector.broadcast %jit3A_238 : f32 to vector<16xf32>
      %select_n3A_240 = arith.select %lt3A_237, %exp3A_235, %broadcast_in_dim3A_239 : vector<16xf32>
      %get3A_241 = arith.index_cast %add3A_230 : i32 to index
      %get3A_242 = tpu.vector_load %arg10[%get3A_241] {strides = array<i32>} : memref<20480xf32, #tpu.memory_space<vmem>>, vector<16xf32>,
      %mul3A_243 = arith.mulf %select_n3A_240, %get3A_242 : vector<16xf32>
      %swap3A_244 = arith.index_cast %add3A_230 : i32 to index
      %swap3A_245 = tpu.vector_load %arg9[%swap3A_244] {strides = array<i32>} : memref<20480xf32, #tpu.memory_space<vmem>>, vector<16xf32>,
      tpu.vector_store %arg9[%swap3A_244], %mul3A_243 {strides = array<i32>} : memref<20480xf32, #tpu.memory_space<vmem>>, vector<16xf32>,
      %add3A_246 = arith.addf %add3A_228, %select_n3A_240 : vector<16xf32>
      %add3A_247 = arith.constant 64 : i32
      %add3A_248 = arith.addi %mul3A_179, %add3A_247 : i32
      %get3A_249 = arith.index_cast %add3A_248 : i32 to index
      %get3A_250 = tpu.vector_load %arg9[%get3A_249] {strides = array<i32>} : memref<20480xf32, #tpu.memory_space<vmem>>, vector<16xf32>,
      %sub3A_251 = vector.broadcast %reduce_max3A_75 : f32 to vector<16xf32>
      %sub3A_252 = arith.subf %get3A_250, %sub3A_251 : vector<16xf32>
      %exp3A_253 = math.exp %sub3A_252 : vector<16xf32>
      %lt3A_254 = arith.constant 20000 : i32
      %lt3A_255 = arith.cmpi slt, %add3A_248, %lt3A_254 : i32
      %jit3A_256 = arith.constant 0.000000e+00 : f32
      %broadcast_in_dim3A_257 = vector.broadcast %jit3A_256 : f32 to vector<16xf32>
      %select_n3A_258 = arith.select %lt3A_255, %exp3A_253, %broadcast_in_dim3A_257 : vector<16xf32>
      %get3A_259 = arith.index_cast %add3A_248 : i32 to index
      %get3A_260 = tpu.vector_load %arg10[%get3A_259] {strides = array<i32>} : memref<20480xf32, #tpu.memory_space<vmem>>, vector<16xf32>,
      %mul3A_261 = arith.mulf %select_n3A_258, %get3A_260 : vector<16xf32>
      %swap3A_262 = arith.index_cast %add3A_248 : i32 to index
      %swap3A_263 = tpu.vector_load %arg9[%swap3A_262] {strides = array<i32>} : memref<20480xf32, #tpu.memory_space<vmem>>, vector<16xf32>,
      tpu.vector_store %arg9[%swap3A_262], %mul3A_261 {strides = array<i32>} : memref<20480xf32, #tpu.memory_space<vmem>>, vector<16xf32>,
      %add3A_264 = arith.addf %add3A_246, %select_n3A_258 : vector<16xf32>
      %add3A_265 = arith.constant 80 : i32
      %add3A_266 = arith.addi %mul3A_179, %add3A_265 : i32
      %get3A_267 = arith.index_cast %add3A_266 : i32 to index
      %get3A_268 = tpu.vector_load %arg9[%get3A_267] {strides = array<i32>} : memref<20480xf32, #tpu.memory_space<vmem>>, vector<16xf32>,
      %sub3A_269 = vector.broadcast %reduce_max3A_75 : f32 to vector<16xf32>
      %sub3A_270 = arith.subf %get3A_268, %sub3A_269 : vector<16xf32>
      %exp3A_271 = math.exp %sub3A_270 : vector<16xf32>
      %lt3A_272 = arith.constant 20000 : i32
      %lt3A_273 = arith.cmpi slt, %add3A_266, %lt3A_272 : i32
      %jit3A_274 = arith.constant 0.000000e+00 : f32
      %broadcast_in_dim3A_275 = vector.broadcast %jit3A_274 : f32 to vector<16xf32>
      %select_n3A_276 = arith.select %lt3A_273, %exp3A_271, %broadcast_in_dim3A_275 : vector<16xf32>
      %get3A_277 = arith.index_cast %add3A_266 : i32 to index
      %get3A_278 = tpu.vector_load %arg10[%get3A_277] {strides = array<i32>} : memref<20480xf32, #tpu.memory_space<vmem>>, vector<16xf32>,
      %mul3A_279 = arith.mulf %select_n3A_276, %get3A_278 : vector<16xf32>
      %swap3A_280 = arith.index_cast %add3A_266 : i32 to index
      %swap3A_281 = tpu.vector_load %arg9[%swap3A_280] {strides = array<i32>} : memref<20480xf32, #tpu.memory_space<vmem>>, vector<16xf32>,
      tpu.vector_store %arg9[%swap3A_280], %mul3A_279 {strides = array<i32>} : memref<20480xf32, #tpu.memory_space<vmem>>, vector<16xf32>,
      %add3A_282 = arith.addf %add3A_264, %select_n3A_276 : vector<16xf32>
      %add3A_283 = arith.constant 96 : i32
      %add3A_284 = arith.addi %mul3A_179, %add3A_283 : i32
      %get3A_285 = arith.index_cast %add3A_284 : i32 to index
      %get3A_286 = tpu.vector_load %arg9[%get3A_285] {strides = array<i32>} : memref<20480xf32, #tpu.memory_space<vmem>>, vector<16xf32>,
      %sub3A_287 = vector.broadcast %reduce_max3A_75 : f32 to vector<16xf32>
      %sub3A_288 = arith.subf %get3A_286, %sub3A_287 : vector<16xf32>
      %exp3A_289 = math.exp %sub3A_288 : vector<16xf32>
      %lt3A_290 = arith.constant 20000 : i32
      %lt3A_291 = arith.cmpi slt, %add3A_284, %lt3A_290 : i32
      %jit3A_292 = arith.constant 0.000000e+00 : f32
      %broadcast_in_dim3A_293 = vector.broadcast %jit3A_292 : f32 to vector<16xf32>
      %select_n3A_294 = arith.select %lt3A_291, %exp3A_289, %broadcast_in_dim3A_293 : vector<16xf32>
      %get3A_295 = arith.index_cast %add3A_284 : i32 to index
      %get3A_296 = tpu.vector_load %arg10[%get3A_295] {strides = array<i32>} : memref<20480xf32, #tpu.memory_space<vmem>>, vector<16xf32>,
      %mul3A_297 = arith.mulf %select_n3A_294, %get3A_296 : vector<16xf32>
      %swap3A_298 = arith.index_cast %add3A_284 : i32 to index
      %swap3A_299 = tpu.vector_load %arg9[%swap3A_298] {strides = array<i32>} : memref<20480xf32, #tpu.memory_space<vmem>>, vector<16xf32>,
      tpu.vector_store %arg9[%swap3A_298], %mul3A_297 {strides = array<i32>} : memref<20480xf32, #tpu.memory_space<vmem>>, vector<16xf32>,
      %add3A_300 = arith.addf %add3A_282, %select_n3A_294 : vector<16xf32>
      %add3A_301 = arith.constant 112 : i32
      %add3A_302 = arith.addi %mul3A_179, %add3A_301 : i32
      %get3A_303 = arith.index_cast %add3A_302 : i32 to index
      %get3A_304 = tpu.vector_load %arg9[%get3A_303] {strides = array<i32>} : memref<20480xf32, #tpu.memory_space<vmem>>, vector<16xf32>,
      %sub3A_305 = vector.broadcast %reduce_max3A_75 : f32 to vector<16xf32>
      %sub3A_306 = arith.subf %get3A_304, %sub3A_305 : vector<16xf32>
      %exp3A_307 = math.exp %sub3A_306 : vector<16xf32>
      %lt3A_308 = arith.constant 20000 : i32
      %lt3A_309 = arith.cmpi slt, %add3A_302, %lt3A_308 : i32
      %jit3A_310 = arith.constant 0.000000e+00 : f32
      %broadcast_in_dim3A_311 = vector.broadcast %jit3A_310 : f32 to vector<16xf32>
      %select_n3A_312 = arith.select %lt3A_309, %exp3A_307, %broadcast_in_dim3A_311 : vector<16xf32>
      %get3A_313 = arith.index_cast %add3A_302 : i32 to index
      %get3A_314 = tpu.vector_load %arg10[%get3A_313] {strides = array<i32>} : memref<20480xf32, #tpu.memory_space<vmem>>, vector<16xf32>,
      %mul3A_315 = arith.mulf %select_n3A_312, %get3A_314 : vector<16xf32>
      %swap3A_316 = arith.index_cast %add3A_302 : i32 to index
      %swap3A_317 = tpu.vector_load %arg9[%swap3A_316] {strides = array<i32>} : memref<20480xf32, #tpu.memory_space<vmem>>, vector<16xf32>,
      tpu.vector_store %arg9[%swap3A_316], %mul3A_315 {strides = array<i32>} : memref<20480xf32, #tpu.memory_space<vmem>>, vector<16xf32>,
      %add3A_318 = arith.addf %add3A_300, %select_n3A_312 : vector<16xf32>
      %dma_start3A_319 = tpu.memref_slice %arg9[%mul3A_179] : memref<20480xf32, #tpu.memory_space<vmem>> -> memref<128xf32, #tpu.memory_space<vmem>>
      %dma_start3A_320 = arith.constant 0 : i32
      %dma_start3A_321 = tpu.memref_slice %arg11[%scan3A_176, %dma_start3A_320] : memref<160x128xi32, #tpu.memory_space<vmem>> -> memref<1x128xi32, #tpu.memory_space<vmem>>
      %dma_start3A_322 = tpu.memref_squeeze %dma_start3A_321 : memref<1x128xi32, #tpu.memory_space<vmem>> -> memref<128xi32, #tpu.memory_space<vmem>>
      %dma_start3A_323 = arith.constant 0 : i32
      %dma_start3A_324 = tpu.memref_slice %arg17[%dma_start3A_323] : memref<10240xf32, #tpu.memory_space<vmem_shared>> -> memref<10240xf32, #tpu.memory_space<vmem_shared>>
      tpu.enqueue_indirect_dma source(%dma_start3A_319 : memref<128xf32, #tpu.memory_space<vmem>>) target(%dma_start3A_324 : memref<10240xf32, #tpu.memory_space<vmem_shared>>) offsets(%dma_start3A_322 : memref<128xi32, #tpu.memory_space<vmem>>) semaphore(%arg16 : memref<!tpu.dma_semaphore, #tpu.memory_space<semaphore_mem>>) {add = true}
      %ge3A = arith.constant 8 : i32
      %ge3A_325 = arith.cmpi sge, %scan3A_176, %ge3A : i32
      %convert_element_type3A = arith.extui %ge3A_325 : i1 to i32
      %cond3A = arith.constant 0 : i32
      %cond3A_326 = arith.cmpi ne, %convert_element_type3A, %cond3A : i32
      scf.if %cond3A_326 {
        %dma_wait3A_327 = arith.constant 0 : i32
        %dma_wait3A_328 = tpu.memref_slice %arg9[%dma_wait3A_327] : memref<20480xf32, #tpu.memory_space<vmem>> -> memref<128xf32, #tpu.memory_space<vmem>>
        %dma_wait3A_329 = arith.constant 0 : i32
        %dma_wait3A_330 = tpu.memref_slice %arg17[%dma_wait3A_329] : memref<10240xf32, #tpu.memory_space<vmem_shared>> -> memref<128xf32, #tpu.memory_space<vmem_shared>>
        %dma_wait3A_331 = arith.constant 0 : i32
        %dma_wait3A_332 = tpu.memref_slice %arg17[%dma_wait3A_331] : memref<10240xf32, #tpu.memory_space<vmem_shared>> -> memref<128xf32, #tpu.memory_space<vmem_shared>>
        %dma_wait3A_333 = arith.constant 0 : i32
        %dma_wait3A_334 = tpu.memref_slice %arg9[%dma_wait3A_333] : memref<20480xf32, #tpu.memory_space<vmem>> -> memref<128xf32, #tpu.memory_space<vmem>>
        tpu.wait_dma2 semaphore(%arg16 : memref<!tpu.dma_semaphore, #tpu.memory_space<semaphore_mem>>) src(%dma_wait3A_334 : memref<128xf32, #tpu.memory_space<vmem>>) dst(%dma_wait3A_332 : memref<128xf32, #tpu.memory_space<vmem_shared>>)
      } else {
      }
      scf.yield %add3A_318 : vector<16xf32>
    }
    %scan3A_83 = arith.constant 160 : i32
    %swap3A_84 = arith.constant 0 : index
    %swap3A_85 = tpu.vector_load %arg13[%swap3A_84] {strides = array<i32>} : memref<16xf32, #tpu.memory_space<vmem>>, vector<16xf32>,
    tpu.vector_store %arg13[%swap3A_84], %scan3A_82 {strides = array<i32>} : memref<16xf32, #tpu.memory_space<vmem>>, vector<16xf32>,
    %add3A_86 = arith.constant 16 : i32
    %add3A_87 = arith.addi %add3A_86, %arg1 : i32
    %mul3A_88 = arith.constant 16 : i32
    %mul3A_89 = arith.muli %add3A_87, %mul3A_88 : i32
    "tpu.region"() ({
      %run_scoped3A = tpu.sem_alloc : memref<!tpu.dma_semaphore, #tpu.memory_space<semaphore_mem>>
      %dma_start3A_176 = tpu.memref_slice %arg18[%mul3A_89] : memref<512xf32, #tpu.memory_space<vmem_shared>> -> memref<16xf32, #tpu.memory_space<vmem_shared>>
      %dma_start3A_177 = tpu.memref_slice %arg18[%mul3A_89] : memref<512xf32, #tpu.memory_space<vmem_shared>> -> memref<16xf32, #tpu.memory_space<vmem_shared>>
      tpu.enqueue_dma source(%arg13 : memref<16xf32, #tpu.memory_space<vmem>>) target(%dma_start3A_177 : memref<16xf32, #tpu.memory_space<vmem_shared>>) target_semaphore(%run_scoped3A : memref<!tpu.dma_semaphore, #tpu.memory_space<semaphore_mem>>)
      %dma_wait3A_178 = tpu.memref_slice %arg18[%mul3A_89] : memref<512xf32, #tpu.memory_space<vmem_shared>> -> memref<16xf32, #tpu.memory_space<vmem_shared>>
      %dma_wait3A_179 = tpu.memref_slice %arg18[%mul3A_89] : memref<512xf32, #tpu.memory_space<vmem_shared>> -> memref<16xf32, #tpu.memory_space<vmem_shared>>
      tpu.wait_dma2 semaphore(%run_scoped3A : memref<!tpu.dma_semaphore, #tpu.memory_space<semaphore_mem>>) src(%arg13 : memref<16xf32, #tpu.memory_space<vmem>>) dst(%dma_wait3A_179 : memref<16xf32, #tpu.memory_space<vmem_shared>>)
      tpu.yield
    }) : () -> ()
    %dma_wait3A_90 = arith.constant 0 : i32
    %dma_wait3A_91 = tpu.memref_slice %arg9[%dma_wait3A_90] : memref<20480xf32, #tpu.memory_space<vmem>> -> memref<128xf32, #tpu.memory_space<vmem>>
    %dma_wait3A_92 = arith.constant 0 : i32
    %dma_wait3A_93 = tpu.memref_slice %arg17[%dma_wait3A_92] : memref<10240xf32, #tpu.memory_space<vmem_shared>> -> memref<128xf32, #tpu.memory_space<vmem_shared>>
    %dma_wait3A_94 = arith.constant 0 : i32
    %dma_wait3A_95 = tpu.memref_slice %arg17[%dma_wait3A_94] : memref<10240xf32, #tpu.memory_space<vmem_shared>> -> memref<128xf32, #tpu.memory_space<vmem_shared>>
    %dma_wait3A_96 = arith.constant 0 : i32
    %dma_wait3A_97 = tpu.memref_slice %arg9[%dma_wait3A_96] : memref<20480xf32, #tpu.memory_space<vmem>> -> memref<128xf32, #tpu.memory_space<vmem>>
    tpu.wait_dma2 semaphore(%arg16 : memref<!tpu.dma_semaphore, #tpu.memory_space<semaphore_mem>>) src(%dma_wait3A_97 : memref<128xf32, #tpu.memory_space<vmem>>) dst(%dma_wait3A_95 : memref<128xf32, #tpu.memory_space<vmem_shared>>)
    %dma_wait3A_98 = arith.constant 0 : i32
    %dma_wait3A_99 = tpu.memref_slice %arg9[%dma_wait3A_98] : memref<20480xf32, #tpu.memory_space<vmem>> -> memref<128xf32, #tpu.memory_space<vmem>>
    %dma_wait3A_100 = arith.constant 0 : i32
    %dma_wait3A_101 = tpu.memref_slice %arg17[%dma_wait3A_100] : memref<10240xf32, #tpu.memory_space<vmem_shared>> -> memref<128xf32, #tpu.memory_space<vmem_shared>>
    %dma_wait3A_102 = arith.constant 0 : i32
    %dma_wait3A_103 = tpu.memref_slice %arg17[%dma_wait3A_102] : memref<10240xf32, #tpu.memory_space<vmem_shared>> -> memref<128xf32, #tpu.memory_space<vmem_shared>>
    %dma_wait3A_104 = arith.constant 0 : i32
    %dma_wait3A_105 = tpu.memref_slice %arg9[%dma_wait3A_104] : memref<20480xf32, #tpu.memory_space<vmem>> -> memref<128xf32, #tpu.memory_space<vmem>>
    tpu.wait_dma2 semaphore(%arg16 : memref<!tpu.dma_semaphore, #tpu.memory_space<semaphore_mem>>) src(%dma_wait3A_105 : memref<128xf32, #tpu.memory_space<vmem>>) dst(%dma_wait3A_103 : memref<128xf32, #tpu.memory_space<vmem_shared>>)
    %dma_wait3A_106 = arith.constant 0 : i32
    %dma_wait3A_107 = tpu.memref_slice %arg9[%dma_wait3A_106] : memref<20480xf32, #tpu.memory_space<vmem>> -> memref<128xf32, #tpu.memory_space<vmem>>
    %dma_wait3A_108 = arith.constant 0 : i32
    %dma_wait3A_109 = tpu.memref_slice %arg17[%dma_wait3A_108] : memref<10240xf32, #tpu.memory_space<vmem_shared>> -> memref<128xf32, #tpu.memory_space<vmem_shared>>
    %dma_wait3A_110 = arith.constant 0 : i32
    %dma_wait3A_111 = tpu.memref_slice %arg17[%dma_wait3A_110] : memref<10240xf32, #tpu.memory_space<vmem_shared>> -> memref<128xf32, #tpu.memory_space<vmem_shared>>
    %dma_wait3A_112 = arith.constant 0 : i32
    %dma_wait3A_113 = tpu.memref_slice %arg9[%dma_wait3A_112] : memref<20480xf32, #tpu.memory_space<vmem>> -> memref<128xf32, #tpu.memory_space<vmem>>
    tpu.wait_dma2 semaphore(%arg16 : memref<!tpu.dma_semaphore, #tpu.memory_space<semaphore_mem>>) src(%dma_wait3A_113 : memref<128xf32, #tpu.memory_space<vmem>>) dst(%dma_wait3A_111 : memref<128xf32, #tpu.memory_space<vmem_shared>>)
    %dma_wait3A_114 = arith.constant 0 : i32
    %dma_wait3A_115 = tpu.memref_slice %arg9[%dma_wait3A_114] : memref<20480xf32, #tpu.memory_space<vmem>> -> memref<128xf32, #tpu.memory_space<vmem>>
    %dma_wait3A_116 = arith.constant 0 : i32
    %dma_wait3A_117 = tpu.memref_slice %arg17[%dma_wait3A_116] : memref<10240xf32, #tpu.memory_space<vmem_shared>> -> memref<128xf32, #tpu.memory_space<vmem_shared>>
    %dma_wait3A_118 = arith.constant 0 : i32
    %dma_wait3A_119 = tpu.memref_slice %arg17[%dma_wait3A_118] : memref<10240xf32, #tpu.memory_space<vmem_shared>> -> memref<128xf32, #tpu.memory_space<vmem_shared>>
    %dma_wait3A_120 = arith.constant 0 : i32
    %dma_wait3A_121 = tpu.memref_slice %arg9[%dma_wait3A_120] : memref<20480xf32, #tpu.memory_space<vmem>> -> memref<128xf32, #tpu.memory_space<vmem>>
    tpu.wait_dma2 semaphore(%arg16 : memref<!tpu.dma_semaphore, #tpu.memory_space<semaphore_mem>>) src(%dma_wait3A_121 : memref<128xf32, #tpu.memory_space<vmem>>) dst(%dma_wait3A_119 : memref<128xf32, #tpu.memory_space<vmem_shared>>)
    %dma_wait3A_122 = arith.constant 0 : i32
    %dma_wait3A_123 = tpu.memref_slice %arg9[%dma_wait3A_122] : memref<20480xf32, #tpu.memory_space<vmem>> -> memref<128xf32, #tpu.memory_space<vmem>>
    %dma_wait3A_124 = arith.constant 0 : i32
    %dma_wait3A_125 = tpu.memref_slice %arg17[%dma_wait3A_124] : memref<10240xf32, #tpu.memory_space<vmem_shared>> -> memref<128xf32, #tpu.memory_space<vmem_shared>>
    %dma_wait3A_126 = arith.constant 0 : i32
    %dma_wait3A_127 = tpu.memref_slice %arg17[%dma_wait3A_126] : memref<10240xf32, #tpu.memory_space<vmem_shared>> -> memref<128xf32, #tpu.memory_space<vmem_shared>>
    %dma_wait3A_128 = arith.constant 0 : i32
    %dma_wait3A_129 = tpu.memref_slice %arg9[%dma_wait3A_128] : memref<20480xf32, #tpu.memory_space<vmem>> -> memref<128xf32, #tpu.memory_space<vmem>>
    tpu.wait_dma2 semaphore(%arg16 : memref<!tpu.dma_semaphore, #tpu.memory_space<semaphore_mem>>) src(%dma_wait3A_129 : memref<128xf32, #tpu.memory_space<vmem>>) dst(%dma_wait3A_127 : memref<128xf32, #tpu.memory_space<vmem_shared>>)
    %dma_wait3A_130 = arith.constant 0 : i32
    %dma_wait3A_131 = tpu.memref_slice %arg9[%dma_wait3A_130] : memref<20480xf32, #tpu.memory_space<vmem>> -> memref<128xf32, #tpu.memory_space<vmem>>
    %dma_wait3A_132 = arith.constant 0 : i32
    %dma_wait3A_133 = tpu.memref_slice %arg17[%dma_wait3A_132] : memref<10240xf32, #tpu.memory_space<vmem_shared>> -> memref<128xf32, #tpu.memory_space<vmem_shared>>
    %dma_wait3A_134 = arith.constant 0 : i32
    %dma_wait3A_135 = tpu.memref_slice %arg17[%dma_wait3A_134] : memref<10240xf32, #tpu.memory_space<vmem_shared>> -> memref<128xf32, #tpu.memory_space<vmem_shared>>
    %dma_wait3A_136 = arith.constant 0 : i32
    %dma_wait3A_137 = tpu.memref_slice %arg9[%dma_wait3A_136] : memref<20480xf32, #tpu.memory_space<vmem>> -> memref<128xf32, #tpu.memory_space<vmem>>
    tpu.wait_dma2 semaphore(%arg16 : memref<!tpu.dma_semaphore, #tpu.memory_space<semaphore_mem>>) src(%dma_wait3A_137 : memref<128xf32, #tpu.memory_space<vmem>>) dst(%dma_wait3A_135 : memref<128xf32, #tpu.memory_space<vmem_shared>>)
    %dma_wait3A_138 = arith.constant 0 : i32
    %dma_wait3A_139 = tpu.memref_slice %arg9[%dma_wait3A_138] : memref<20480xf32, #tpu.memory_space<vmem>> -> memref<128xf32, #tpu.memory_space<vmem>>
    %dma_wait3A_140 = arith.constant 0 : i32
    %dma_wait3A_141 = tpu.memref_slice %arg17[%dma_wait3A_140] : memref<10240xf32, #tpu.memory_space<vmem_shared>> -> memref<128xf32, #tpu.memory_space<vmem_shared>>
    %dma_wait3A_142 = arith.constant 0 : i32
    %dma_wait3A_143 = tpu.memref_slice %arg17[%dma_wait3A_142] : memref<10240xf32, #tpu.memory_space<vmem_shared>> -> memref<128xf32, #tpu.memory_space<vmem_shared>>
    %dma_wait3A_144 = arith.constant 0 : i32
    %dma_wait3A_145 = tpu.memref_slice %arg9[%dma_wait3A_144] : memref<20480xf32, #tpu.memory_space<vmem>> -> memref<128xf32, #tpu.memory_space<vmem>>
    tpu.wait_dma2 semaphore(%arg16 : memref<!tpu.dma_semaphore, #tpu.memory_space<semaphore_mem>>) src(%dma_wait3A_145 : memref<128xf32, #tpu.memory_space<vmem>>) dst(%dma_wait3A_143 : memref<128xf32, #tpu.memory_space<vmem_shared>>)
    %dma_wait3A_146 = arith.constant 0 : i32
    %dma_wait3A_147 = tpu.memref_slice %arg9[%dma_wait3A_146] : memref<20480xf32, #tpu.memory_space<vmem>> -> memref<128xf32, #tpu.memory_space<vmem>>
    %dma_wait3A_148 = arith.constant 0 : i32
    %dma_wait3A_149 = tpu.memref_slice %arg17[%dma_wait3A_148] : memref<10240xf32, #tpu.memory_space<vmem_shared>> -> memref<128xf32, #tpu.memory_space<vmem_shared>>
    %dma_wait3A_150 = arith.constant 0 : i32
    %dma_wait3A_151 = tpu.memref_slice %arg17[%dma_wait3A_150] : memref<10240xf32, #tpu.memory_space<vmem_shared>> -> memref<128xf32, #tpu.memory_space<vmem_shared>>
    %dma_wait3A_152 = arith.constant 0 : i32
    %dma_wait3A_153 = tpu.memref_slice %arg9[%dma_wait3A_152] : memref<20480xf32, #tpu.memory_space<vmem>> -> memref<128xf32, #tpu.memory_space<vmem>>
    tpu.wait_dma2 semaphore(%arg16 : memref<!tpu.dma_semaphore, #tpu.memory_space<semaphore_mem>>) src(%dma_wait3A_153 : memref<128xf32, #tpu.memory_space<vmem>>) dst(%dma_wait3A_151 : memref<128xf32, #tpu.memory_space<vmem_shared>>)
    %barrier3A_154 = arith.constant 0 : index
    tpu.barrier barrier_id(%barrier3A_154)
    "tpu.region"() ({
      %run_scoped3A = tpu.sem_alloc : memref<!tpu.dma_semaphore, #tpu.memory_space<semaphore_mem>>
      %dma_start3A_176 = arith.constant 256 : i32
      %dma_start3A_177 = tpu.memref_slice %arg18[%dma_start3A_176] : memref<512xf32, #tpu.memory_space<vmem_shared>> -> memref<256xf32, #tpu.memory_space<vmem_shared>>
      %dma_start3A_178 = arith.constant 256 : i32
      %dma_start3A_179 = tpu.memref_slice %arg18[%dma_start3A_178] : memref<512xf32, #tpu.memory_space<vmem_shared>> -> memref<256xf32, #tpu.memory_space<vmem_shared>>
      tpu.enqueue_dma source(%dma_start3A_179 : memref<256xf32, #tpu.memory_space<vmem_shared>>) target(%arg14 : memref<256xf32, #tpu.memory_space<vmem>>) target_semaphore(%run_scoped3A : memref<!tpu.dma_semaphore, #tpu.memory_space<semaphore_mem>>)
      %dma_wait3A_180 = arith.constant 256 : i32
      %dma_wait3A_181 = tpu.memref_slice %arg18[%dma_wait3A_180] : memref<512xf32, #tpu.memory_space<vmem_shared>> -> memref<256xf32, #tpu.memory_space<vmem_shared>>
      %dma_wait3A_182 = arith.constant 256 : i32
      %dma_wait3A_183 = tpu.memref_slice %arg18[%dma_wait3A_182] : memref<512xf32, #tpu.memory_space<vmem_shared>> -> memref<256xf32, #tpu.memory_space<vmem_shared>>
      tpu.wait_dma2 semaphore(%run_scoped3A : memref<!tpu.dma_semaphore, #tpu.memory_space<semaphore_mem>>) src(%dma_wait3A_183 : memref<256xf32, #tpu.memory_space<vmem_shared>>) dst(%arg14 : memref<256xf32, #tpu.memory_space<vmem>>)
      tpu.yield
    }) : () -> ()
    %broadcast_in_dim3A_155 = arith.constant 0.000000e+00 : f32
    %broadcast_in_dim3A_156 = vector.broadcast %broadcast_in_dim3A_155 : f32 to vector<16xf32>
    %scan3A_157 = arith.constant 0 : i32
    %scan3A_158 = arith.constant 16 : i32
    %scan3A_159 = arith.addi %scan3A_157, %scan3A_158 : i32
    %scan3A_160 = arith.constant 1 : i32
    %scan3A_161 = scf.for %scan3A_176 = %scan3A_157 to %scan3A_159 step %scan3A_160 iter_args(%scan3A_177 = %broadcast_in_dim3A_156) -> (vector<16xf32>)  : i32 {
      %mul3A_178 = arith.constant 16 : i32
      %mul3A_179 = arith.muli %scan3A_176, %mul3A_178 : i32
      %get3A_180 = arith.index_cast %mul3A_179 : i32 to index
      %get3A_181 = tpu.vector_load %arg14[%get3A_180] {strides = array<i32>} : memref<256xf32, #tpu.memory_space<vmem>>, vector<16xf32>,
      %add3A_182 = arith.addf %scan3A_177, %get3A_181 : vector<16xf32>
      scf.yield %add3A_182 : vector<16xf32>
    }
    %scan3A_162 = arith.constant 16 : i32
    %reduce_sum3A_163 = arith.constant true
    %reduce_sum3A_164 = vector.broadcast %reduce_sum3A_163 : i1 to vector<16xi1>
    %reduce_sum3A_165 = tpu.scan <sum>, %scan3A_161 masked %reduce_sum3A_164 : vector<16xf32>, vector<16xi1> -> vector<16xf32>
    %reduce_sum3A_166 = vector.extract %reduce_sum3A_165[15] : f32 from vector<16xf32>
    %broadcast_in_dim3A_167 = vector.broadcast %reduce_sum3A_166 : f32 to vector<16xf32>
    %div3A = arith.constant 1.000000e+00 : f32
    %div3A_168 = vector.broadcast %div3A : f32 to vector<16xf32>
    %div3A_169 = arith.divf %div3A_168, %broadcast_in_dim3A_167 : vector<16xf32>
    "tpu.region"() ({
      %run_scoped3A = tpu.sem_alloc : memref<!tpu.dma_semaphore, #tpu.memory_space<semaphore_mem>>
      %dma_start3A_176 = tpu.memref_slice %arg17[%mul3A_2] : memref<10240xf32, #tpu.memory_space<vmem_shared>> -> memref<640xf32, #tpu.memory_space<vmem_shared>>
      %dma_start3A_177 = tpu.memref_slice %arg17[%mul3A_2] : memref<10240xf32, #tpu.memory_space<vmem_shared>> -> memref<640xf32, #tpu.memory_space<vmem_shared>>
      tpu.enqueue_dma source(%dma_start3A_177 : memref<640xf32, #tpu.memory_space<vmem_shared>>) target(%arg15 : memref<640xf32, #tpu.memory_space<vmem>>) target_semaphore(%run_scoped3A : memref<!tpu.dma_semaphore, #tpu.memory_space<semaphore_mem>>)
      %dma_wait3A_178 = tpu.memref_slice %arg17[%mul3A_2] : memref<10240xf32, #tpu.memory_space<vmem_shared>> -> memref<640xf32, #tpu.memory_space<vmem_shared>>
      %dma_wait3A_179 = tpu.memref_slice %arg17[%mul3A_2] : memref<10240xf32, #tpu.memory_space<vmem_shared>> -> memref<640xf32, #tpu.memory_space<vmem_shared>>
      tpu.wait_dma2 semaphore(%run_scoped3A : memref<!tpu.dma_semaphore, #tpu.memory_space<semaphore_mem>>) src(%dma_wait3A_179 : memref<640xf32, #tpu.memory_space<vmem_shared>>) dst(%arg15 : memref<640xf32, #tpu.memory_space<vmem>>)
      tpu.yield
    }) : () -> ()
    %scan3A_170 = arith.constant 0 : i32
    %scan3A_171 = arith.constant 0 : i32
    %scan3A_172 = arith.constant 40 : i32
    %scan3A_173 = arith.addi %scan3A_171, %scan3A_172 : i32
    %scan3A_174 = arith.constant 1 : i32
    scf.for %scan3A_176 = %scan3A_171 to %scan3A_173 step %scan3A_174  : i32 {
      %mul3A_177 = arith.constant 16 : i32
      %mul3A_178 = arith.muli %scan3A_176, %mul3A_177 : i32
      %get3A_179 = arith.index_cast %mul3A_178 : i32 to index
      %get3A_180 = tpu.vector_load %arg15[%get3A_179] {strides = array<i32>} : memref<640xf32, #tpu.memory_space<vmem>>, vector<16xf32>,
      %mul3A_181 = arith.mulf %get3A_180, %div3A_169 : vector<16xf32>
      %gt3A = arith.constant 0.000000e+00 : f32
      %gt3A_182 = vector.broadcast %gt3A : f32 to vector<16xf32>
      %gt3A_183 = arith.cmpf ogt, %mul3A_181, %gt3A_182 : vector<16xf32>
      %exp3A = math.exp %mul3A_181 : vector<16xf32>
      %sub3A = arith.constant 1.000000e+00 : f32
      %sub3A_184 = vector.broadcast %sub3A : f32 to vector<16xf32>
      %sub3A_185 = arith.subf %exp3A, %sub3A_184 : vector<16xf32>
      %select_n3A = arith.select %gt3A_183, %mul3A_181, %sub3A_185 : vector<16xi1>, vector<16xf32>
      %swap3A_186 = arith.index_cast %mul3A_178 : i32 to index
      %swap3A_187 = tpu.vector_load %arg15[%swap3A_186] {strides = array<i32>} : memref<640xf32, #tpu.memory_space<vmem>>, vector<16xf32>,
      tpu.vector_store %arg15[%swap3A_186], %select_n3A {strides = array<i32>} : memref<640xf32, #tpu.memory_space<vmem>>, vector<16xf32>,
    }
    %scan3A_175 = arith.constant 40 : i32
    "tpu.region"() ({
      %run_scoped3A = tpu.sem_alloc : memref<!tpu.dma_semaphore, #tpu.memory_space<semaphore_mem>>
      %dma_start3A_176 = tpu.memref_slice %arg5[%mul3A_2] : memref<10240xf32, #tpu.memory_space<hbm>> -> memref<640xf32, #tpu.memory_space<hbm>>
      %dma_start3A_177 = tpu.memref_slice %arg5[%mul3A_2] : memref<10240xf32, #tpu.memory_space<hbm>> -> memref<640xf32, #tpu.memory_space<hbm>>
      tpu.enqueue_dma source(%arg15 : memref<640xf32, #tpu.memory_space<vmem>>) target(%dma_start3A_177 : memref<640xf32, #tpu.memory_space<hbm>>) target_semaphore(%run_scoped3A : memref<!tpu.dma_semaphore, #tpu.memory_space<semaphore_mem>>)
      %dma_wait3A_178 = tpu.memref_slice %arg5[%mul3A_2] : memref<10240xf32, #tpu.memory_space<hbm>> -> memref<640xf32, #tpu.memory_space<hbm>>
      %dma_wait3A_179 = tpu.memref_slice %arg5[%mul3A_2] : memref<10240xf32, #tpu.memory_space<hbm>> -> memref<640xf32, #tpu.memory_space<hbm>>
      tpu.wait_dma2 semaphore(%run_scoped3A : memref<!tpu.dma_semaphore, #tpu.memory_space<semaphore_mem>>) src(%arg15 : memref<640xf32, #tpu.memory_space<vmem>>) dst(%dma_wait3A_179 : memref<640xf32, #tpu.memory_space<hbm>>)
      tpu.yield
    }) : () -> ()
    return
  }
}

module attributes {stable_mosaic.version = 14 : i64} {
  func.func @_matvec_body(%arg0: memref<10000x128xf32, #tpu.memory_space<vmem>>, %arg1: memref<128x1xf32, #tpu.memory_space<vmem>>, %arg2: memref<10000x1xf32, #tpu.memory_space<vmem>>) attributes {dimension_semantics = [], scalar_prefetch = 0 : i64, scratch_operands = 0 : i64, tpu.core_type = #tpu.core_type<tc>} {
    %get3A = arith.constant 0 : index
    %get3A_0 = arith.constant 0 : index
    %get3A_1 = vector.load %arg0[%get3A, %get3A_0] : memref<10000x128xf32, #tpu.memory_space<vmem>>, vector<10000x128xf32>
    %get3A_2 = arith.constant 0 : index
    %get3A_3 = arith.constant 0 : index
    %get3A_4 = vector.load %arg1[%get3A_2, %get3A_3] : memref<128x1xf32, #tpu.memory_space<vmem>>, vector<128x1xf32>
    %dot_general3A = arith.constant dense<0.000000e+00> : vector<10000x1xf32>
    %dot_general3A_5 = tpu.matmul %get3A_1, %get3A_4, %dot_general3A {dimension_numbers = #tpu.dot_dimension_numbers<[1], [0], [0], [1], [0, 0, 1, 1], [], []>, transpose_lhs_hint = false} : vector<10000x128xf32>, vector<128x1xf32>, vector<10000x1xf32> -> vector<10000x1xf32>
    %swap3A = arith.constant 0 : index
    %swap3A_6 = arith.constant 0 : index
    %swap3A_7 = vector.load %arg2[%swap3A, %swap3A_6] : memref<10000x1xf32, #tpu.memory_space<vmem>>, vector<10000x1xf32>
    tpu.vector_store %arg2[%swap3A, %swap3A_6], %dot_general3A_5 {strides = array<i32>} : memref<10000x1xf32, #tpu.memory_space<vmem>>, vector<10000x1xf32>,
    return
  }
}

</mosaic_0001>

<sc_bundles>
// kernel: kernel.4.cloned.1.call-start
scs
__scs_entry_jumppad:
0x0: {  	(pc) =	sbr.rel $0x88, $3  }
0x1: {  	(tag) =	ssettag $0x0;
	lr =	simm.s32 $0x1  }
0x2: {  	[smem:$0x3F9D] =	sst lr;
	_ =	strace $0xD0000000  }
0x3: {  	_ = 	snop  }
0x4: {  	_ = 	snop  }
0x5: {  	_ = 	snop  }
0x6: {  	_ = 	snop  }
0x7: {  	_ = 	snop  }
__scs_overlays_trampoline_lowered:
0x8: {  	[smem:$0x3FAC] =	sst s0  }
0x9: {  	[smem:$0x3FAD] =	sst s1  }
0xa: {  	[smem:$0x3FAE] =	sst s2  }
0xb: {  	[smem:$0x3FAF] =	sst s3  }
0xc: {  	[smem:$0x3FB0] =	sst s4  }
0xd: {  	[smem:$0x3FB1] =	sst s5  }
0xe: {  	[smem:$0x3FB2] =	sst s6  }
0xf: {  	[smem:$0x3FB3] =	sst s7  }
0x10: {  	[smem:$0x3FB4] =	sst s8  }
0x11: {  	[smem:$0x3FB5] =	sst s9;
	s0 =	simm.s32 @!p0 $0x0  }
0x12: {  	s1 =	sld [smem:$0x3F9B];
	s0 =	simm.s32 @p0 $0x1  }
0x13: {  	[smem:$0x3FB6] =	sst s0;
	s0 =	simm.s32 @!p1 $0x0  }
0x14: {  	s2 =	sld [smem:$0x3F9A];
	s0 =	simm.s32 @p1 $0x1  }
0x15: {  	[smem:$0x3FB7] =	sst s0;
	s0 =	simm.s32 @!p2 $0x0  }
0x16: {  	s3 =	sld [smem:$0x3FDB];
	s0 =	simm.s32 @p2 $0x1  }
0x17: {  	s4 =	simm.s32 $0x1BF5;
	[smem:$0x3FB9] =	sst s0  }
0x18: {  	s0 =	sld [smem:$0x3F9C];
	_ =	swait.ge [sflag:s4], $0x0  }
0x19: {  	s7 =	sld [smem:$0x3F9D]  }
0x1a: {  	s8 =	sadd.s32 $0xFFFFE003, lr  }
0x1b: {  	s9 =	sadd.s32 $0xFFFFFEF7, lr;
	s5 =	simm.s32 $0xFFFFFFFF;
	p2 =	slt.u32 s8, $0xFFFFF086  }
0x1c: {  	p1 =	slt.u32 s9, $0xF7A;
	s5 =	simm.s32 @!p2 $0x0  }
0x1d: {  	s5 =	simm.s32 @p1 $0x1;
	p0 =	seq.s32 s7, s2  }
0x1e: {  	s7 =	smul.u32 @!p0 $0xF7A, s2;
	p2 =	seq.s32 @!p0 s5, $0x0  }
0x1f: {  	s9 =	smul.u32 $0xF7A, s1;
	s8 =	simm.s32 @!p0 $0x1BF5;
	p2 =	por !p2, p0  }
0x20: {  	[sflag:s8] =	ssyncset.s32 @!p0 $0xFFFFF086;
	s6 =	sadd.s32 @!p0 s3, s7;
	s7 =	simm.s32 @!p0 $0x108  }
0x21: {  	s3 =	sadd.s32 s3, s9;
	s6 =	sadd.s32 @!p0 $0x88, s6;
	s7 =	simm.s32 @p2 $0x1082  }
0x22: {  	[simem:s7], [sflag:s8] =	dma.local @!p0 [hbm:s6], $0xF7A  }
0x23: {  	s9 =	sor.u32 $0xD0000000, s2;
	s6 =	simm.s32 $0x108;
	_ =	swait.ge @!p0 [sflag:s8], $0x0  }
0x24: {  	s3 =	sadd.s32 $0x88, s3;
	s6 =	simm.s32 @!p1 $0x1082;
	[sflag:s4] =	ssyncset.s32 $0xFFFFF086  }
0x25: {  	[simem:s6], [sflag:s4] =	dma.local [hbm:s3], $0xF7A  }
0x26: {  	[smem:$0x3F9D] =	sst s1;
	(tag) =	ssettag s2;
	_ =	strace s9  }
0x27: {  	s1 =	sld [smem:$0x3FAD]  }
0x28: {  	s2 =	sld [smem:$0x3FAE]  }
0x29: {  	s4 =	sld [smem:$0x3FB0]  }
0x2a: {  	p0 =	seq.s32 s5, $0x0;
	s5 =	sld [smem:$0x3FB1]  }
0x2b: {  	s6 =	sld [smem:$0x3FB2]  }
0x2c: {  	s7 =	sld [smem:$0x3FB3]  }
0x2d: {  	s3 =	simm.s32 $0x108;
	s8 =	sld [smem:$0x3FB4]  }
0x2e: {  	s3 =	simm.s32 @!p0 $0x1082;
	s9 =	sld [smem:$0x3FB5]  }
0x2f: {  	lr =	sadd.s32 s0, s3;
	s0 =	sld [smem:$0x3FAC]  }
0x30: {  	s3 =	sld [smem:$0x3FAF]  }
0x31: {  	[smem:$0x3FB8] =	sst s10  }
0x32: {  	s10 =	sld [smem:$0x3FB6];
	_ =	sdelay $0x3  }
0x33: {  	p0 =	seq.s32 s10, $0x1;
	s10 =	sld [smem:$0x3FB8];
	_ =	sdelay $0x3  }
0x34: {  	[smem:$0x3FB8] =	sst s10  }
0x35: {  	s10 =	sld [smem:$0x3FB7];
	_ =	sdelay $0x3  }
0x36: {  	p1 =	seq.s32 s10, $0x1;
	s10 =	sld [smem:$0x3FB8];
	_ =	sdelay $0x3  }
0x37: {  	[smem:$0x3FB8] =	sst s10  }
0x38: {  	s10 =	sld [smem:$0x3FB9]  }
0x39: {  	_ = 	snop;
	(pc) =	sbr.ind lr, $3  }
0x3a: {  	_ = 	snop  }
0x3b: {  	_ = 	snop  }
0x3c: {  	p2 =	seq.s32 s10, $0x1;
	s10 =	sld [smem:$0x3FB8]  }
0x3d: {  	_ =	shalt  }
0x3e: {  	_ =	shalt  }
0x3f: {  	_ =	shalt  }
0x40: {  	_ =	shalt  }
0x41: {  	_ =	shalt  }
0x42: {  	_ =	shalt  }
0x43: {  	_ =	shalt  }
0x44: {  	_ =	shalt  }
0x45: {  	_ =	shalt  }
0x46: {  	_ =	shalt  }
0x47: {  	_ =	shalt  }
0x48: {  	_ =	shalt  }
0x49: {  	_ =	shalt  }
0x4a: {  	_ =	shalt  }
0x4b: {  	_ =	shalt  }
0x4c: {  	_ =	shalt  }
0x4d: {  	_ =	shalt  }
0x4e: {  	_ =	shalt  }
0x4f: {  	_ =	shalt  }
0x50: {  	_ =	shalt  }
0x51: {  	_ =	shalt  }
0x52: {  	_ =	shalt  }
0x53: {  	_ =	shalt  }
0x54: {  	_ =	shalt  }
0x55: {  	_ =	shalt  }
0x56: {  	_ =	shalt  }
0x57: {  	_ =	shalt  }
0x58: {  	_ =	shalt  }
0x59: {  	_ =	shalt  }
0x5a: {  	_ =	shalt  }
0x5b: {  	_ =	shalt  }
0x5c: {  	_ =	shalt  }
0x5d: {  	_ =	shalt  }
0x5e: {  	_ =	shalt  }
0x5f: {  	_ =	shalt  }
0x60: {  	_ =	shalt  }
0x61: {  	_ =	shalt  }
0x62: {  	_ =	shalt  }
0x63: {  	_ =	shalt  }
0x64: {  	_ =	shalt  }
0x65: {  	_ =	shalt  }
0x66: {  	_ =	shalt  }
0x67: {  	_ =	shalt  }
0x68: {  	_ =	shalt  }
0x69: {  	_ =	shalt  }
0x6a: {  	_ =	shalt  }
0x6b: {  	_ =	shalt  }
0x6c: {  	_ =	shalt  }
0x6d: {  	_ =	shalt  }
0x6e: {  	_ =	shalt  }
0x6f: {  	_ =	shalt  }
0x70: {  	_ =	shalt  }
0x71: {  	_ =	shalt  }
0x72: {  	_ =	shalt  }
0x73: {  	_ =	shalt  }
0x74: {  	_ =	shalt  }
0x75: {  	_ =	shalt  }
0x76: {  	_ =	shalt  }
0x77: {  	_ =	shalt  }
0x78: {  	_ =	shalt  }
0x79: {  	_ =	shalt  }
0x7a: {  	_ =	shalt  }
0x7b: {  	_ =	shalt  }
0x7c: {  	_ =	shalt  }
0x7d: {  	_ =	shalt  }
0x7e: {  	_ =	shalt  }
0x7f: {  	_ =	shalt  }
0x80: {  	_ =	shalt  }
0x81: {  	_ =	shalt  }
0x82: {  	_ =	shalt  }
0x83: {  	_ =	shalt  }
0x84: {  	_ =	shalt  }
0x85: {  	_ =	shalt  }
0x86: {  	_ =	shalt  }
0x87: {  	_ =	shalt  }
.Lfunc_end0:
.L_simem_size_0:
called_computation_lowered:
.L_overlay_start_0:
0x88: {  	s0 =	sld [smem:$0x3FD9]  }
0x89: {  	s1 =	sld [smem:$0x3FFE];
	_ =	sdelay $0x3  }
0x8a: {  	s0 =	sadd.s32 s1, s0  }
0x8b: {  	[smem:$0x3FC4] =	sst s0  }
0x8c: {  	_ = 	snop  }
0x8d: {  	s0 =	sld [smem:$0x3FD0];
	(tm) =	ssettm $0x1  }
0x8e: {  	s16 =	sld [smem:$0x3FFB];
	_ =	sdelay $0x3  }
0x8f: {  	_ =	strace s16  }
0x90: {  	s1 =	sld [smem:$0x3FFC];
	_ =	sdelay $0x3  }
0x91: {  	_ =	strace s1  }
0x92: {  	s1 =	sld [smem:$0x3FFD];
	_ =	sdelay $0x3  }
0x93: {  	_ =	strace s1  }
0x94: {  	_ =	strace $0x8FFFFFFF  }
0x95: {  	s17 =	sld [smem:$0x3FDB];
	_ =	sdelay $0x1  }
0x96: {  	s2 =	simm.s32 $_scs_section_size  }
0x97: {  	s3 =	simm.s32 $_size__tile_overlayer_lowered;
	s4 =	simm.s32 $_tile_overlayer_lowered  }
0x98: {  	s20 =	simm.s32 $0x1BFF;
	s19 =	sshll.u32 s4, $0x1;
	s1 =	sadd.s32 s2, s17  }
0x99: {  	s5 =	simm.s32 $0x0;
	s18 =	sshll.u32 s3, $0x1;
	s3 =	sadd.s32 s19, s1  }
0x9a: {  	[timem:s5], [sflag:s20] =	dma.local [hbm:s3], s18  }
0x9b: {  	_ =	swait.ge [sflag:s20], s18  }
0x9c: {  	s2 =	ssub.s32 $0x0, s18;
	[sflag:s20] =	ssyncset.done $0x0  }
0x9d: {  	[sflag:s20] =	ssyncadd.s32 s2;
	_ =	sdelay $0x1  }
0x9e: {  	s21 =	simm.s32 $0x1B8B  }
0x9f: {  	_ =	swait.ge [sflag:s21], $0x1  }
0xa0: {  	[sflag:s21] =	ssyncset.done $0x0  }
0xa1: {  	s23 =	simm.s32 $0x1B8E;
	s22 =	sld [smem:$0x3FFE];
	[sflag:s21] =	ssyncadd.s32 $0xFFFFFFFF  }
0xa2: {  	s24 =	simm.s32 $execute0_lowered;
	[smem:$0x3FD2] =	sst s23  }
0xa3: {  	s3 =	sshll.u32 s24, $0x1;
	_ =	strace $0x80000046;
	[dreg:$0x1] =	wrdreg $0xFFFFFFFF  }
0xa4: {  	s25 =	simm.s32 $_size_execute0_lowered;
	s1 =	sadd.s32 s1, s3;
	[dreg:$0x0] =	wrdreg $0x0  }
0xa5: {  	s3 =	sshll.u32 s25, $0x1;
	[dreg:$0x2] =	wrdreg s1  }
0xa6: {  	[dreg:$0x3] =	wrdreg s3  }
0xa7: {  	[dreg:$0x4] =	wrdreg $0xC0  }
0xa8: {  	_ =	task [dreg:s5], $0x5FFFF  }
0xa9: {  	[dreg:$0x1] =	wrdreg $0xFFFFFFFF  }
0xaa: {  	[dreg:$0x0] =	wrdreg $0x60  }
0xab: {  	[dreg:$0x2] =	wrdreg s22  }
0xac: {  	[dreg:$0x3] =	wrdreg s0  }
0xad: {  	[dreg:$0x4] =	wrdreg $0x1BC000  }
0xae: {  	[dreg:$0x5] =	wrdreg $0x1BE800  }
0xaf: {  	[dreg:$0x6] =	wrdreg $0x9  }
0xb0: {  	_ =	task.clear_ibuf [dreg:s5], $0x7FFFF;
	_ =	strace $0x90000046  }
0xb1: {  	s26 =	simm.s32 $0x9;
	_ =	strace $0x80000048  }
0xb2: {  	_ =	swait.ge [sflag:s26], $0x1  }
0xb3: {  	[sflag:s26] =	ssyncadd.s32 $0xFFFFFFFF  }
0xb4: {  	_ =	strace $0x90000048  }
0xb5: {  	_ =	sfence  }
0xb6: {  	s28 =	sld [smem:$0x0];
	_ =	sdelay $0x1  }
0xb7: {  	s29 =	srdreg.scid  }
0xb8: {  	s30 =	sshll.u32 s29, $0xD;
	s31 =	sshrl.u32 s29, $0x2  }
0xb9: {  	s2 =	sand.u32 $0x4000, s30;
	s1 =	sand.u32 $0x1, s29;
	s0 =	sadd.s32 s31, s28  }
0xba: {  	s1 =	sor.u32 s2, s1;
	s0 =	sshll.u32 s0, $0x11  }
0xbb: {  	s0 =	sor.u32 s0, s1  }
0xbc: {  	s0 =	sadd.s32 $0x8F2B, s0  }
0xbd: {  	[sflag:s0] =	ssyncadd.remote.s32 $0x1  }
0xbe: {  	_ =	sfence.sel $0xFFFF  }
0xbf: {  	[dreg:$0x0] =	wrdreg $0xFFFFFFFF;
	(pc) =	sbr.abs _section_cstart, $3  }
0xc0: {  	[dreg:$0x1] =	wrdreg $0xFFFFFFFF  }
0xc1: {  	_ =	task.clear_ibuf [dreg:s5], $0x2FFFF;
	_ =	strace $0x9FFFFFFF  }
0xc2: {  	(tm) =	ssettm $0x7FFFFFFF  }
0xc3: {  	_ =	shalt  }
tec
execute0_lowered:
.L_overlay_start_1:
0x0: {  	(tag) =	ssettag $0x1  }
0x1: {  	s2 =	rddreg [dreg:$0x0]  }
0x2: {  	s3 =	rddreg [dreg:$0x1]  }
0x3: {  	s5 =	rddreg [dreg:$0x2]  }
0x4: {  	s4 =	rddreg [dreg:$0x3];
	s1 =	stileid.u32  }
0x5: {  	s0 =	rddreg [dreg:$0x4];
	s6 =	simm.s32 $0x0;
	s7 =	smul.u32 $0x4E20, s1  }
0x6: {  	[smem:$0x7FF] =	sst s6  }
0x7: {  	s8 =	sadd.s32 $0x13E00, s2;
	_ =	strace $0x80000047;
	s7 =	sshrl.u32 s7, $0x3  }
0x8: {  	[tilespmem:s6], [sflag:$0x1] =	stream.linear.gather [hbm4b:s8+s6], $0x2780, $0x38;
	[tilespmem:$0x1BEA0] =	vst v63  }
0x9: {  	s26 =	simm.s32 $0x1B780;
	s7 =	sadd.s32 s7, s2  }
0xa: {  	[tilespmem:s26], [sflag:$0x1] =	stream.linear.gather [hbm4b:s3+s6], $0x80, $0x38;
	[tilespmem:$0x1BEA0] =	vst v63  }
0xb: {  	s29 =	simm.s32 $0x2780;
	s28 =	sadd.s32 $0x400, s7  }
0xc: {  	[tilespmem:s29], [sflag:$0x1] =	stream.linear.gather [hbm4b:s28+s6], $0x4E20, $0x38;
	[tilespmem:$0x1BEA0] =	vst v63  }
0xd: {  	s31 =	simm.s32 $0x7780;
	s30 =	sadd.s32 $0xA040, s7  }
0xe: {  	[tilespmem:s31], [sflag:$0x1] =	stream.linear.gather [hbm4b:s30+s6], $0x4E20, $0x38;
	[tilespmem:$0x1BEA0] =	vst v63  }
0xf: {  	v0 =	vimm.s32 $0x0;
	s2 =	sadd.s32 $0x14400, s2;
	s3 =	simm.s32 $0x40;
	s6 =	simm.s32 $0x0  }
.LBB2_1:
0x10: {  	p0 =	sne.s32 s3, $0x740;
	[tilespmem:s6+$0x75A0] =	vst v0;
	s7 =	smov.u32 s3;
	s3 =	sadd.s32 $0x40, s3  }
.Ltmp0:
0x11: {  	[tilespmem:s6+$0xC5A0] =	vst v0;
	(pc) =	sbr.rel @p0 .LBB2_1-.Ltmp0, $2  }
0x12: {  	_ =	sdelay $0x2  }
0x13: {  	s6 =	sshra.s32 s7, $0x2  }
0x14: {  	[tilespmem:s6+$0x75A0] =	vst v0  }
0x15: {  	[tilespmem:s6+$0xC5A0] =	vst v0;
	v0 =	vimm.f32 $0.0e+00  }
0x16: {  	[tilespmem:$0x1B980] =	vst v0  }
0x17: {  	[tilespmem:$0x1B990] =	vst v0  }
0x18: {  	[tilespmem:$0x1B9A0] =	vst v0  }
0x19: {  	[tilespmem:$0x1B9B0] =	vst v0  }
0x1a: {  	[tilespmem:$0x1B9C0] =	vst v0  }
0x1b: {  	[tilespmem:$0x1B9D0] =	vst v0  }
0x1c: {  	[tilespmem:$0x1B9E0] =	vst v0  }
0x1d: {  	[tilespmem:$0x1B9F0] =	vst v0  }
0x1e: {  	[tilespmem:$0x1BA00] =	vst v0  }
0x1f: {  	[tilespmem:$0x1BA10] =	vst v0  }
0x20: {  	[tilespmem:$0x1BA20] =	vst v0  }
0x21: {  	[tilespmem:$0x1BA30] =	vst v0  }
0x22: {  	[tilespmem:$0x1BA40] =	vst v0  }
0x23: {  	[tilespmem:$0x1BA50] =	vst v0  }
0x24: {  	[tilespmem:$0x1BA60] =	vst v0  }
0x25: {  	[tilespmem:$0x1BA70] =	vst v0  }
0x26: {  	[tilespmem:$0x1BA80] =	vst v0  }
0x27: {  	[tilespmem:$0x1BA90] =	vst v0  }
0x28: {  	[tilespmem:$0x1BAA0] =	vst v0  }
0x29: {  	[tilespmem:$0x1BAB0] =	vst v0  }
0x2a: {  	[tilespmem:$0x1BAC0] =	vst v0  }
0x2b: {  	[tilespmem:$0x1BAD0] =	vst v0  }
0x2c: {  	[tilespmem:$0x1BAE0] =	vst v0  }
0x2d: {  	[tilespmem:$0x1BAF0] =	vst v0  }
0x2e: {  	[tilespmem:$0x1BB00] =	vst v0  }
0x2f: {  	[tilespmem:$0x1BB10] =	vst v0  }
0x30: {  	[tilespmem:$0x1BB20] =	vst v0  }
0x31: {  	[tilespmem:$0x1BB30] =	vst v0  }
0x32: {  	[tilespmem:$0x1BB40] =	vst v0  }
0x33: {  	[tilespmem:$0x1BB50] =	vst v0  }
0x34: {  	[tilespmem:$0x1BB60] =	vst v0  }
0x35: {  	[tilespmem:$0x1BB70] =	vst v0  }
0x36: {  	[tilespmem:$0x1BB80] =	vst v0  }
0x37: {  	[tilespmem:$0x1BB90] =	vst v0  }
0x38: {  	[tilespmem:$0x1BBA0] =	vst v0  }
0x39: {  	[tilespmem:$0x1BBB0] =	vst v0  }
0x3a: {  	[tilespmem:$0x1BBC0] =	vst v0  }
0x3b: {  	s3 =	smul.u32 $0x280, s1;
	[tilespmem:$0x1BBD0] =	vst v0  }
0x3c: {  	[tilespmem:$0x1BBE0] =	vst v0  }
0x3d: {  	s7 =	simm.s32 $0x1B980;
	s30 =	simm.s32 $0x2;
	[tilespmem:$0x1BBF0] =	vst v0;
	s6 =	sadd.s32 s3, s5  }
0x3e: {  	[spmem:s6] =	stream.linear.scatter [tilespmem:s7], [sflag:$0x2], $0x280, $0x38;
	[tilespmem:$0x1BEA0] =	vst v63  }
0x3f: {  	_ =	swait.ge [sflag:s30], $0x280  }
0x40: {  	[sflag:s30] =	ssyncset.done $0x0  }
0x41: {  	s31 =	simm.s32 $0x1;
	[sflag:s30] =	ssyncadd.s32 $0xFFFFFD80  }
0x42: {  	_ =	swait.ge [sflag:s31], $0x2780  }
0x43: {  	[sflag:s31] =	ssyncset.done $0x0  }
0x44: {  	[sflag:s31] =	ssyncadd.s32 $0xFFFFD880  }
0x45: {  	_ =	swait.ge [sflag:s31], $0x80  }
0x46: {  	[sflag:s31] =	ssyncset.done $0x0  }
0x47: {  	[sflag:s31] =	ssyncadd.s32 $0xFFFFFF80  }
0x48: {  	_ =	swait.ge [sflag:s31], $0x4E20  }
0x49: {  	[sflag:s31] =	ssyncset.done $0x0  }
0x4a: {  	[sflag:s31] =	ssyncadd.s32 $0xFFFFB1E0  }
0x4b: {  	_ =	swait.ge [sflag:s31], $0x4E20  }
0x4c: {  	[sflag:s31] =	ssyncset.done $0x0  }
0x4d: {  	[sflag:s31] =	ssyncadd.s32 $0xFFFFB1E0  }
0x4e: {  	v0 =	vld [tilespmem:$0x1B780]  }
0x4f: {  	s8 =	simm.s32 $0x0  }
0x50: {  	v1 =	vld [tilespmem:s8+$0x2780]  }
0x51: {  	v2 =	vld [tilespmem:s8+$0x7780];
	_ =	sdelay $0x1  }
0x52: {  	v3 =	vshrl.u32 v0, $0x10  }
0x53: {  	v3 =	vand.u32 $0x1, v3  }
0x54: {  	v0 =	vadd.s32 v3, v0  }
0x55: {  	v0 =	vadd.s32 $0x7FFF, v0  }
0x56: {  	s7 =	simm.s32 $0x0;
	v0 =	vand.u32 $0xFFFF0000, v0  }
0x57: {  	v1 =	vld.idx.msk [tilespmem:v1+s7+$0x0], $0xffff;
	(xrf2) =	vadd.scan.msk.f32 $0xffff, v0  }
0x58: {  	v0 =	vld.idx.msk [tilespmem:v2+s7+$0x0], $0xffff;
	_ =	sdelay $0x4  }
0x59: {  	v0 =	vmul.f32 v0, v1;
	_ =	sdelay $0x1  }
0x5a: {  	v3 =	vshrl.u32 v0, $0x10  }
0x5b: {  	v3 =	vand.u32 $0x1, v3  }
0x5c: {  	v3 =	vadd.s32 v3, v0;
	v4, _, _ =	vpop (xrf2)  }
0x5d: {  	v3 =	vadd.s32 $0x7FFF, v3;
	v0 =	vbroadcast v4, $0xF;
	v4 =	vld [tilespmem:s8+$0x2790]  }
0x5e: {  	v5 =	vld [tilespmem:s8+$0x7790];
	v3 =	vand.u32 $0xFFFF0000, v3  }
0x5f: {  	v3 =	vmul.f32 v3, v0;
	_ =	sdelay $0x1  }
0x60: {  	v6 =	vmul.f32 $2.000000030e-01, v3  }
0x61: {  	[tilespmem:s8+$0x16780] =	vst v2;
	vm0 =	vge.f32 v3, $0.0e+00  }
0x62: {  	[tilespmem:s8+$0x11780] =	vst v1;
	v2 =	vsel vm0, v3, v6  }
0x63: {  	[tilespmem:s8+$0xC780] =	vst v2  }
0x64: {  	v1 =	vld.idx.msk [tilespmem:v4+s7+$0x0], $0xffff  }
0x65: {  	v3 =	vld.idx.msk [tilespmem:v5+s7+$0x0], $0xffff;
	_ =	sdelay $0x4  }
0x66: {  	v3 =	vmul.f32 v3, v1;
	_ =	sdelay $0x1  }
0x67: {  	v4 =	vshrl.u32 v3, $0x10  }
0x68: {  	v4 =	vand.u32 $0x1, v4  }
0x69: {  	v3 =	vadd.s32 v4, v3  }
0x6a: {  	v4 =	vld [tilespmem:s8+$0x27A0];
	v3 =	vadd.s32 $0x7FFF, v3  }
0x6b: {  	v40 =	vld [tilespmem:s8+$0x77A0];
	v3 =	vand.u32 $0xFFFF0000, v3  }
0x6c: {  	v3 =	vmul.f32 v3, v0;
	_ =	sdelay $0x1  }
0x6d: {  	v7 =	vmul.f32 $2.000000030e-01, v3  }
0x6e: {  	[tilespmem:s8+$0x16790] =	vst v5;
	vm10 =	vge.f32 v3, $0.0e+00  }
0x6f: {  	[tilespmem:s8+$0x11790] =	vst v1;
	v3 =	vsel vm10, v3, v7  }
0x70: {  	[tilespmem:s8+$0xC790] =	vst v3  }
0x71: {  	v1 =	vld.idx.msk [tilespmem:v4+s7+$0x0], $0xffff  }
0x72: {  	v4 =	vld.idx.msk [tilespmem:v40+s7+$0x0], $0xffff;
	_ =	sdelay $0x4  }
0x73: {  	v4 =	vmul.f32 v4, v1;
	_ =	sdelay $0x1  }
0x74: {  	v5 =	vshrl.u32 v4, $0x10  }
0x75: {  	v5 =	vand.u32 $0x1, v5  }
0x76: {  	v4 =	vadd.s32 v5, v4  }
0x77: {  	v5 =	vld [tilespmem:s8+$0x27B0];
	v4 =	vadd.s32 $0x7FFF, v4  }
0x78: {  	v41 =	vld [tilespmem:s8+$0x77B0];
	v4 =	vand.u32 $0xFFFF0000, v4  }
0x79: {  	v4 =	vmul.f32 v4, v0;
	_ =	sdelay $0x1  }
0x7a: {  	v8 =	vmul.f32 $2.000000030e-01, v4  }
0x7b: {  	[tilespmem:s8+$0x167A0] =	vst v40;
	vm11 =	vge.f32 v4, $0.0e+00  }
0x7c: {  	[tilespmem:s8+$0x117A0] =	vst v1;
	v4 =	vsel vm11, v4, v8  }
0x7d: {  	[tilespmem:s8+$0xC7A0] =	vst v4  }
0x7e: {  	v1 =	vld.idx.msk [tilespmem:v5+s7+$0x0], $0xffff  }
0x7f: {  	v5 =	vld.idx.msk [tilespmem:v41+s7+$0x0], $0xffff;
	_ =	sdelay $0x4  }
0x80: {  	v5 =	vmul.f32 v5, v1;
	_ =	sdelay $0x1  }
0x81: {  	v42 =	vshrl.u32 v5, $0x10  }
0x82: {  	v6 =	vand.u32 $0x1, v42  }
0x83: {  	[tilespmem:s8+$0x117B0] =	vst v1;
	v1 =	vadd.s32 v6, v5  }
0x84: {  	v5 =	vld [tilespmem:s8+$0x27C0];
	v1 =	vadd.s32 $0x7FFF, v1  }
0x85: {  	v43 =	vld [tilespmem:s8+$0x77C0];
	v1 =	vand.u32 $0xFFFF0000, v1  }
0x86: {  	v1 =	vmul.f32 v1, v0;
	_ =	sdelay $0x1  }
0x87: {  	v44 =	vmul.f32 $2.000000030e-01, v1  }
0x88: {  	vm12 =	vge.f32 v1, $0.0e+00  }
0x89: {  	[tilespmem:s8+$0x167B0] =	vst v41;
	v1 =	vsel vm12, v1, v44  }
0x8a: {  	[tilespmem:s8+$0xC7B0] =	vst v1  }
0x8b: {  	v5 =	vld.idx.msk [tilespmem:v5+s7+$0x0], $0xffff  }
0x8c: {  	v45 =	vld.idx.msk [tilespmem:v43+s7+$0x0], $0xffff;
	_ =	sdelay $0x4  }
0x8d: {  	v7 =	vmul.f32 v45, v5;
	_ =	sdelay $0x1  }
0x8e: {  	v46 =	vshrl.u32 v7, $0x10  }
0x8f: {  	v47 =	vand.u32 $0x1, v46  }
0x90: {  	[tilespmem:s8+$0x117C0] =	vst v5;
	v5 =	vadd.s32 v47, v7  }
0x91: {  	v48 =	vld [tilespmem:s8+$0x27D0];
	v5 =	vadd.s32 $0x7FFF, v5  }
0x92: {  	v49 =	vld [tilespmem:s8+$0x77D0];
	v5 =	vand.u32 $0xFFFF0000, v5  }
0x93: {  	v5 =	vmul.f32 v5, v0;
	_ =	sdelay $0x1  }
0x94: {  	v50 =	vmul.f32 $2.000000030e-01, v5  }
0x95: {  	vm13 =	vge.f32 v5, $0.0e+00  }
0x96: {  	[tilespmem:s8+$0x167C0] =	vst v43;
	v5 =	vsel vm13, v5, v50  }
0x97: {  	[tilespmem:s8+$0xC7C0] =	vst v5  }
0x98: {  	v6 =	vld.idx.msk [tilespmem:v48+s7+$0x0], $0xffff  }
0x99: {  	v51 =	vld.idx.msk [tilespmem:v49+s7+$0x0], $0xffff;
	_ =	sdelay $0x4  }
0x9a: {  	v8 =	vmul.f32 v51, v6;
	_ =	sdelay $0x1  }
0x9b: {  	v9 =	vshrl.u32 v8, $0x10  }
0x9c: {  	v52 =	vand.u32 $0x1, v9  }
0x9d: {  	v53 =	vadd.s32 v52, v8  }
0x9e: {  	v54 =	vld [tilespmem:s8+$0x27E0];
	[tilespmem:s8+$0x117D0] =	vst v6;
	v6 =	vadd.s32 $0x7FFF, v53  }
0x9f: {  	v55 =	vld [tilespmem:s8+$0x77E0];
	v6 =	vand.u32 $0xFFFF0000, v6  }
0xa0: {  	v6 =	vmul.f32 v6, v0;
	_ =	sdelay $0x1  }
0xa1: {  	v56 =	vmul.f32 $2.000000030e-01, v6  }
0xa2: {  	vm14 =	vge.f32 v6, $0.0e+00  }
0xa3: {  	[tilespmem:s8+$0x167D0] =	vst v49;
	v6 =	vsel vm14, v6, v56  }
0xa4: {  	[tilespmem:s8+$0xC7D0] =	vst v6  }
0xa5: {  	v7 =	vld.idx.msk [tilespmem:v54+s7+$0x0], $0xffff  }
0xa6: {  	v57 =	vld.idx.msk [tilespmem:v55+s7+$0x0], $0xffff;
	_ =	sdelay $0x4  }
0xa7: {  	v9 =	vmul.f32 v57, v7;
	_ =	sdelay $0x1  }
0xa8: {  	v10 =	vshrl.u32 v9, $0x10  }
0xa9: {  	v58 =	vand.u32 $0x1, v10  }
0xaa: {  	v59 =	vadd.s32 v58, v9  }
0xab: {  	v60 =	vld [tilespmem:s8+$0x27F0];
	[tilespmem:s8+$0x117E0] =	vst v7;
	v7 =	vadd.s32 $0x7FFF, v59  }
0xac: {  	v61 =	vld [tilespmem:s8+$0x77F0];
	v7 =	vand.u32 $0xFFFF0000, v7  }
0xad: {  	v7 =	vmul.f32 v7, v0;
	_ =	sdelay $0x1  }
0xae: {  	v62 =	vmul.f32 $2.000000030e-01, v7  }
0xaf: {  	vm15 =	vge.f32 v7, $0.0e+00  }
0xb0: {  	[tilespmem:s8+$0x167E0] =	vst v55;
	v7 =	vsel vm15, v7, v62  }
0xb1: {  	[tilespmem:s8+$0xC7E0] =	vst v7  }
0xb2: {  	v8 =	vld.idx.msk [tilespmem:v60+s7+$0x0], $0xffff  }
0xb3: {  	v63 =	vld.idx.msk [tilespmem:v61+s7+$0x0], $0xffff  }
0xb4: {  	v11 =	vimm.f32 $-Inf  }
0xb5: {  	v2 =	vmax.f32 v11, v2  }
0xb6: {  	v2 =	vmax.f32 v2, v3  }
0xb7: {  	v2 =	vmax.f32 v2, v4  }
0xb8: {  	v1 =	vmax.f32 v2, v1;
	v2 =	vmul.f32 v63, v8  }
0xb9: {  	v1 =	vmax.f32 v1, v5  }
0xba: {  	v1 =	vmax.f32 v1, v6;
	[tilespmem:s8+$0x167F0] =	vst v61;
	v3 =	vshrl.u32 v2, $0x10  }
0xbb: {  	s9 =	simm.s32 $0x200;
	s10 =	simm.s32 $0x400;
	v1 =	vmax.f32 v1, v7;
	[tilespmem:s8+$0x117F0] =	vst v8;
	v3 =	vand.u32 $0x1, v3  }
.LBB2_3:
0xbc: {  	p0 =	sne.s32 s10, $0x13E00  }
0xbd: {  	s11 =	sshra.s32 s9, $0x2;
	v2 =	vadd.s32 v3, v2;
	s9 =	smov.u32 s10;
	s10 =	sadd.s32 $0x200, s10  }
0xbe: {  	v3 =	vld [tilespmem:s11+$0x2780];
	v2 =	vadd.s32 $0x7FFF, v2  }
0xbf: {  	v4 =	vld [tilespmem:s11+$0x7780];
	v2 =	vand.u32 $0xFFFF0000, v2  }
0xc0: {  	v2 =	vmul.f32 v2, v0;
	_ =	sdelay $0x1  }
0xc1: {  	vm0 =	vge.f32 v2, $0.0e+00;
	v5 =	vmul.f32 $2.000000030e-01, v2;
	_ =	sdelay $0x1  }
0xc2: {  	v2 =	vsel vm0, v2, v5  }
0xc3: {  	[tilespmem:s8+$0xC7F0] =	vst v2;
	v1 =	vmax.f32 v1, v2;
	s8 =	smov.u32 s11  }
0xc4: {  	v3 =	vld.idx.msk [tilespmem:v3+s7+$0x0], $0xffff  }
0xc5: {  	v2 =	vld.idx.msk [tilespmem:v4+s7+$0x0], $0xffff;
	_ =	sdelay $0x5  }
0xc6: {  	v2 =	vmul.f32 v2, v3;
	_ =	sdelay $0x1  }
0xc7: {  	v5 =	vshrl.u32 v2, $0x10  }
0xc8: {  	v5 =	vand.u32 $0x1, v5  }
0xc9: {  	v2 =	vadd.s32 v5, v2  }
0xca: {  	v2 =	vadd.s32 $0x7FFF, v2;
	v5 =	vld [tilespmem:s8+$0x2790]  }
0xcb: {  	v2 =	vand.u32 $0xFFFF0000, v2;
	v6 =	vld [tilespmem:s8+$0x7790]  }
0xcc: {  	v2 =	vmul.f32 v2, v0;
	_ =	sdelay $0x1  }
0xcd: {  	vm0 =	vge.f32 v2, $0.0e+00;
	v7 =	vmul.f32 $2.000000030e-01, v2  }
0xce: {  	[tilespmem:s8+$0x16780] =	vst v4  }
0xcf: {  	v2 =	vsel vm0, v2, v7;
	[tilespmem:s8+$0x11780] =	vst v3  }
0xd0: {  	[tilespmem:s8+$0xC780] =	vst v2  }
0xd1: {  	v4 =	vld.idx.msk [tilespmem:v5+s7+$0x0], $0xffff  }
0xd2: {  	v3 =	vld.idx.msk [tilespmem:v6+s7+$0x0], $0xffff;
	_ =	sdelay $0x5  }
0xd3: {  	v3 =	vmul.f32 v3, v4;
	_ =	sdelay $0x1  }
0xd4: {  	v5 =	vshrl.u32 v3, $0x10  }
0xd5: {  	v5 =	vand.u32 $0x1, v5  }
0xd6: {  	v3 =	vadd.s32 v5, v3  }
0xd7: {  	v3 =	vadd.s32 $0x7FFF, v3;
	v5 =	vld [tilespmem:s8+$0x27A0]  }
0xd8: {  	v3 =	vand.u32 $0xFFFF0000, v3;
	v7 =	vld [tilespmem:s8+$0x77A0]  }
0xd9: {  	v3 =	vmul.f32 v3, v0;
	_ =	sdelay $0x1  }
0xda: {  	vm0 =	vge.f32 v3, $0.0e+00;
	v8 =	vmul.f32 $2.000000030e-01, v3  }
0xdb: {  	[tilespmem:s8+$0x16790] =	vst v6  }
0xdc: {  	v3 =	vsel vm0, v3, v8;
	[tilespmem:s8+$0x11790] =	vst v4  }
0xdd: {  	[tilespmem:s8+$0xC790] =	vst v3  }
0xde: {  	v5 =	vld.idx.msk [tilespmem:v5+s7+$0x0], $0xffff  }
0xdf: {  	v4 =	vld.idx.msk [tilespmem:v7+s7+$0x0], $0xffff;
	_ =	sdelay $0x5  }
0xe0: {  	v4 =	vmul.f32 v4, v5;
	_ =	sdelay $0x1  }
0xe1: {  	v6 =	vshrl.u32 v4, $0x10  }
0xe2: {  	v6 =	vand.u32 $0x1, v6  }
0xe3: {  	v4 =	vadd.s32 v6, v4  }
0xe4: {  	v4 =	vadd.s32 $0x7FFF, v4;
	v6 =	vld [tilespmem:s8+$0x27B0]  }
0xe5: {  	v4 =	vand.u32 $0xFFFF0000, v4;
	v8 =	vld [tilespmem:s8+$0x77B0]  }
0xe6: {  	v4 =	vmul.f32 v4, v0;
	_ =	sdelay $0x1  }
0xe7: {  	vm0 =	vge.f32 v4, $0.0e+00;
	v9 =	vmul.f32 $2.000000030e-01, v4  }
0xe8: {  	[tilespmem:s8+$0x167A0] =	vst v7  }
0xe9: {  	v4 =	vsel vm0, v4, v9;
	[tilespmem:s8+$0x117A0] =	vst v5  }
0xea: {  	[tilespmem:s8+$0xC7A0] =	vst v4  }
0xeb: {  	v5 =	vld.idx.msk [tilespmem:v6+s7+$0x0], $0xffff  }
0xec: {  	v6 =	vld.idx.msk [tilespmem:v8+s7+$0x0], $0xffff  }
0xed: {  	[tilespmem:s8+$0x167B0] =	vst v8;
	_ =	sdelay $0x3  }
0xee: {  	[tilespmem:s8+$0x117B0] =	vst v5  }
0xef: {  	v5 =	vmul.f32 v6, v5;
	_ =	sdelay $0x1  }
0xf0: {  	v6 =	vshrl.u32 v5, $0x10  }
0xf1: {  	v6 =	vand.u32 $0x1, v6  }
0xf2: {  	v5 =	vadd.s32 v6, v5  }
0xf3: {  	v5 =	vadd.s32 $0x7FFF, v5;
	v6 =	vld [tilespmem:s8+$0x27C0]  }
0xf4: {  	v5 =	vand.u32 $0xFFFF0000, v5;
	v7 =	vld [tilespmem:s8+$0x77C0]  }
0xf5: {  	v5 =	vmul.f32 v5, v0;
	_ =	sdelay $0x1  }
0xf6: {  	vm0 =	vge.f32 v5, $0.0e+00;
	v8 =	vmul.f32 $2.000000030e-01, v5;
	_ =	sdelay $0x1  }
0xf7: {  	v5 =	vsel vm0, v5, v8  }
0xf8: {  	[tilespmem:s8+$0xC7B0] =	vst v5  }
0xf9: {  	v6 =	vld.idx.msk [tilespmem:v6+s7+$0x0], $0xffff  }
0xfa: {  	v8 =	vld.idx.msk [tilespmem:v7+s7+$0x0], $0xffff  }
0xfb: {  	[tilespmem:s8+$0x167C0] =	vst v7;
	_ =	sdelay $0x3  }
0xfc: {  	[tilespmem:s8+$0x117C0] =	vst v6  }
0xfd: {  	v6 =	vmul.f32 v8, v6;
	_ =	sdelay $0x1  }
0xfe: {  	v7 =	vshrl.u32 v6, $0x10  }
0xff: {  	v7 =	vand.u32 $0x1, v7  }
0x100: {  	v6 =	vadd.s32 v7, v6  }
0x101: {  	v6 =	vadd.s32 $0x7FFF, v6;
	v7 =	vld [tilespmem:s8+$0x27D0]  }
0x102: {  	v6 =	vand.u32 $0xFFFF0000, v6;
	v8 =	vld [tilespmem:s8+$0x77D0]  }
0x103: {  	v6 =	vmul.f32 v6, v0;
	_ =	sdelay $0x1  }
0x104: {  	vm0 =	vge.f32 v6, $0.0e+00;
	v9 =	vmul.f32 $2.000000030e-01, v6;
	_ =	sdelay $0x1  }
0x105: {  	v6 =	vsel vm0, v6, v9  }
0x106: {  	[tilespmem:s8+$0xC7C0] =	vst v6  }
0x107: {  	v7 =	vld.idx.msk [tilespmem:v7+s7+$0x0], $0xffff  }
0x108: {  	v9 =	vld.idx.msk [tilespmem:v8+s7+$0x0], $0xffff  }
0x109: {  	[tilespmem:s8+$0x167D0] =	vst v8;
	_ =	sdelay $0x3  }
0x10a: {  	[tilespmem:s8+$0x117D0] =	vst v7  }
0x10b: {  	v7 =	vmul.f32 v9, v7;
	_ =	sdelay $0x1  }
0x10c: {  	v8 =	vshrl.u32 v7, $0x10  }
0x10d: {  	v8 =	vand.u32 $0x1, v8  }
0x10e: {  	v7 =	vadd.s32 v8, v7  }
0x10f: {  	v7 =	vadd.s32 $0x7FFF, v7;
	v8 =	vld [tilespmem:s8+$0x27E0]  }
0x110: {  	v7 =	vand.u32 $0xFFFF0000, v7;
	v9 =	vld [tilespmem:s8+$0x77E0]  }
0x111: {  	v7 =	vmul.f32 v7, v0;
	_ =	sdelay $0x1  }
0x112: {  	vm0 =	vge.f32 v7, $0.0e+00;
	v10 =	vmul.f32 $2.000000030e-01, v7;
	_ =	sdelay $0x1  }
0x113: {  	v7 =	vsel vm0, v7, v10  }
0x114: {  	[tilespmem:s8+$0xC7D0] =	vst v7  }
0x115: {  	v8 =	vld.idx.msk [tilespmem:v8+s7+$0x0], $0xffff  }
0x116: {  	v10 =	vld.idx.msk [tilespmem:v9+s7+$0x0], $0xffff  }
0x117: {  	[tilespmem:s8+$0x167E0] =	vst v9;
	_ =	sdelay $0x3  }
0x118: {  	[tilespmem:s8+$0x117E0] =	vst v8  }
0x119: {  	v8 =	vmul.f32 v10, v8;
	_ =	sdelay $0x1  }
0x11a: {  	v9 =	vshrl.u32 v8, $0x10  }
0x11b: {  	v9 =	vand.u32 $0x1, v9  }
0x11c: {  	v8 =	vadd.s32 v9, v8;
	v9 =	vld [tilespmem:s8+$0x77F0]  }
0x11d: {  	v8 =	vadd.s32 $0x7FFF, v8;
	v10 =	vld [tilespmem:s8+$0x27F0]  }
0x11e: {  	v8 =	vand.u32 $0xFFFF0000, v8  }
0x11f: {  	v8 =	vmul.f32 v8, v0;
	_ =	sdelay $0x1  }
0x120: {  	vm0 =	vge.f32 v8, $0.0e+00;
	v11 =	vmul.f32 $2.000000030e-01, v8;
	_ =	sdelay $0x1  }
0x121: {  	v8 =	vsel vm0, v8, v11  }
0x122: {  	[tilespmem:s8+$0xC7E0] =	vst v8  }
0x123: {  	v10 =	vld.idx.msk [tilespmem:v10+s7+$0x0], $0xffff  }
0x124: {  	v11 =	vld.idx.msk [tilespmem:v9+s7+$0x0], $0xffff  }
0x125: {  	[tilespmem:s8+$0x167F0] =	vst v9;
	_ =	sdelay $0x1  }
0x126: {  	v1 =	vmax.f32 v1, v2  }
0x127: {  	v1 =	vmax.f32 v1, v3  }
.Ltmp1:
0x128: {  	v1 =	vmax.f32 v1, v4;
	[tilespmem:s8+$0x117F0] =	vst v10;
	(pc) =	sbr.rel @p0 .LBB2_3-.Ltmp1, $4  }
0x129: {  	v1 =	vmax.f32 v1, v5;
	v2 =	vmul.f32 v11, v10  }
0x12a: {  	v1 =	vmax.f32 v1, v6  }
0x12b: {  	v1 =	vmax.f32 v1, v7;
	v3 =	vshrl.u32 v2, $0x10  }
0x12c: {  	v1 =	vmax.f32 v1, v8;
	v3 =	vand.u32 $0x1, v3  }
0x12d: {  	s9 =	sshra.s32 s9, $0x2;
	v2 =	vadd.s32 v3, v2  }
0x12e: {  	v3 =	vld [tilespmem:s9+$0x2780];
	v2 =	vadd.s32 $0x7FFF, v2  }
0x12f: {  	v4 =	vld [tilespmem:s9+$0x7780];
	v2 =	vand.u32 $0xFFFF0000, v2  }
0x130: {  	v2 =	vmul.f32 v2, v0;
	_ =	sdelay $0x1  }
0x131: {  	v5 =	vmul.f32 $2.000000030e-01, v2  }
0x132: {  	vm0 =	vge.f32 v2, $0.0e+00  }
0x133: {  	v2 =	vsel vm0, v2, v5  }
0x134: {  	[tilespmem:s8+$0xC7F0] =	vst v2  }
0x135: {  	v3 =	vld.idx.msk [tilespmem:v3+s7+$0x0], $0xffff  }
0x136: {  	v44 =	vld.idx.msk [tilespmem:v4+s7+$0x0], $0xffff;
	_ =	sdelay $0x4  }
0x137: {  	v5 =	vmul.f32 v44, v3;
	_ =	sdelay $0x1  }
0x138: {  	v6 =	vshrl.u32 v5, $0x10  }
0x139: {  	v6 =	vand.u32 $0x1, v6  }
0x13a: {  	v5 =	vadd.s32 v6, v5  }
0x13b: {  	v45 =	vld [tilespmem:s9+$0x2790];
	v5 =	vadd.s32 $0x7FFF, v5  }
0x13c: {  	v7 =	vld [tilespmem:s9+$0x7790];
	v5 =	vand.u32 $0xFFFF0000, v5  }
0x13d: {  	v5 =	vmul.f32 v5, v0;
	_ =	sdelay $0x1  }
0x13e: {  	v8 =	vmul.f32 $2.000000030e-01, v5  }
0x13f: {  	[tilespmem:s9+$0x16780] =	vst v4;
	vm8 =	vge.f32 v5, $0.0e+00  }
0x140: {  	[tilespmem:s9+$0x11780] =	vst v3;
	v46 =	vsel vm8, v5, v8  }
0x141: {  	[tilespmem:s9+$0xC780] =	vst v46  }
0x142: {  	v3 =	vld.idx.msk [tilespmem:v45+s7+$0x0], $0xffff  }
0x143: {  	v47 =	vld.idx.msk [tilespmem:v7+s7+$0x0], $0xffff;
	_ =	sdelay $0x4  }
0x144: {  	v5 =	vmul.f32 v47, v3;
	_ =	sdelay $0x1  }
0x145: {  	v48 =	vshrl.u32 v5, $0x10  }
0x146: {  	v6 =	vand.u32 $0x1, v48  }
0x147: {  	v5 =	vadd.s32 v6, v5  }
0x148: {  	v49 =	vld [tilespmem:s9+$0x27A0];
	v5 =	vadd.s32 $0x7FFF, v5  }
0x149: {  	v50 =	vld [tilespmem:s9+$0x77A0];
	v5 =	vand.u32 $0xFFFF0000, v5  }
0x14a: {  	v5 =	vmul.f32 v5, v0;
	_ =	sdelay $0x1  }
0x14b: {  	v9 =	vmul.f32 $2.000000030e-01, v5  }
0x14c: {  	[tilespmem:s9+$0x16790] =	vst v7;
	vm9 =	vge.f32 v5, $0.0e+00  }
0x14d: {  	[tilespmem:s9+$0x11790] =	vst v3;
	v5 =	vsel vm9, v5, v9  }
0x14e: {  	[tilespmem:s9+$0xC790] =	vst v5  }
0x14f: {  	v3 =	vld.idx.msk [tilespmem:v49+s7+$0x0], $0xffff  }
0x150: {  	v51 =	vld.idx.msk [tilespmem:v50+s7+$0x0], $0xffff;
	_ =	sdelay $0x4  }
0x151: {  	v6 =	vmul.f32 v51, v3;
	_ =	sdelay $0x1  }
0x152: {  	v52 =	vshrl.u32 v6, $0x10  }
0x153: {  	v7 =	vand.u32 $0x1, v52  }
0x154: {  	v6 =	vadd.s32 v7, v6  }
0x155: {  	v53 =	vld [tilespmem:s9+$0x27B0];
	v6 =	vadd.s32 $0x7FFF, v6  }
0x156: {  	v54 =	vld [tilespmem:s9+$0x77B0];
	v6 =	vand.u32 $0xFFFF0000, v6  }
0x157: {  	v6 =	vmul.f32 v6, v0;
	_ =	sdelay $0x1  }
0x158: {  	v10 =	vmul.f32 $2.000000030e-01, v6  }
0x159: {  	[tilespmem:s9+$0x167A0] =	vst v50;
	vm10 =	vge.f32 v6, $0.0e+00  }
0x15a: {  	[tilespmem:s9+$0x117A0] =	vst v3;
	v6 =	vsel vm10, v6, v10  }
0x15b: {  	[tilespmem:s9+$0xC7A0] =	vst v6  }
0x15c: {  	v3 =	vld.idx.msk [tilespmem:v53+s7+$0x0], $0xffff  }
0x15d: {  	v55 =	vld.idx.msk [tilespmem:v54+s7+$0x0], $0xffff;
	_ =	sdelay $0x4  }
0x15e: {  	v7 =	vmul.f32 v55, v3;
	_ =	sdelay $0x1  }
0x15f: {  	v56 =	vshrl.u32 v7, $0x10  }
0x160: {  	v8 =	vand.u32 $0x1, v56  }
0x161: {  	v7 =	vadd.s32 v8, v7  }
0x162: {  	v57 =	vld [tilespmem:s9+$0x27C0];
	v7 =	vadd.s32 $0x7FFF, v7  }
0x163: {  	v58 =	vld [tilespmem:s9+$0x77C0];
	v7 =	vand.u32 $0xFFFF0000, v7  }
0x164: {  	v7 =	vmul.f32 v7, v0;
	_ =	sdelay $0x1  }
0x165: {  	v11 =	vmul.f32 $2.000000030e-01, v7  }
0x166: {  	[tilespmem:s9+$0x167B0] =	vst v54;
	vm11 =	vge.f32 v7, $0.0e+00  }
0x167: {  	[tilespmem:s9+$0x117B0] =	vst v3;
	v3 =	vsel vm11, v7, v11  }
0x168: {  	[tilespmem:s9+$0xC7B0] =	vst v3  }
0x169: {  	v59 =	vld.idx.msk [tilespmem:v57+s7+$0x0], $0xffff  }
0x16a: {  	v60 =	vld.idx.msk [tilespmem:v58+s7+$0x0], $0xffff;
	_ =	sdelay $0x4  }
0x16b: {  	v8 =	vmul.f32 v60, v59;
	_ =	sdelay $0x1  }
0x16c: {  	v61 =	vshrl.u32 v8, $0x10  }
0x16d: {  	v9 =	vand.u32 $0x1, v61  }
0x16e: {  	v8 =	vadd.s32 v9, v8  }
0x16f: {  	v62 =	vld [tilespmem:s9+$0x27D0];
	v8 =	vadd.s32 $0x7FFF, v8  }
0x170: {  	v63 =	vld [tilespmem:s9+$0x77D0];
	v8 =	vand.u32 $0xFFFF0000, v8  }
0x171: {  	v8 =	vmul.f32 v8, v0;
	_ =	sdelay $0x1  }
0x172: {  	v12 =	vmul.f32 $2.000000030e-01, v8  }
0x173: {  	[tilespmem:s9+$0x167C0] =	vst v58;
	vm12 =	vge.f32 v8, $0.0e+00  }
0x174: {  	[tilespmem:s9+$0x117C0] =	vst v59;
	v16 =	vsel vm12, v8, v12  }
0x175: {  	[tilespmem:s9+$0xC7C0] =	vst v16  }
0x176: {  	v17 =	vld.idx.msk [tilespmem:v62+s7+$0x0], $0xffff  }
0x177: {  	v18 =	vld.idx.msk [tilespmem:v63+s7+$0x0], $0xffff;
	_ =	sdelay $0x4  }
0x178: {  	v9 =	vmul.f32 v18, v17;
	_ =	sdelay $0x1  }
0x179: {  	v19 =	vshrl.u32 v9, $0x10  }
0x17a: {  	v10 =	vand.u32 $0x1, v19  }
0x17b: {  	v9 =	vadd.s32 v10, v9  }
0x17c: {  	v20 =	vld [tilespmem:s9+$0x27E0];
	v9 =	vadd.s32 $0x7FFF, v9  }
0x17d: {  	v21 =	vld [tilespmem:s9+$0x77E0];
	v9 =	vand.u32 $0xFFFF0000, v9  }
0x17e: {  	v9 =	vmul.f32 v9, v0;
	_ =	sdelay $0x1  }
0x17f: {  	v13 =	vmul.f32 $2.000000030e-01, v9  }
0x180: {  	[tilespmem:s9+$0x167D0] =	vst v63;
	vm13 =	vge.f32 v9, $0.0e+00  }
0x181: {  	[tilespmem:s9+$0x117D0] =	vst v17;
	v22 =	vsel vm13, v9, v13  }
0x182: {  	[tilespmem:s9+$0xC7D0] =	vst v22  }
0x183: {  	v23 =	vld.idx.msk [tilespmem:v20+s7+$0x0], $0xffff  }
0x184: {  	v24 =	vld.idx.msk [tilespmem:v21+s7+$0x0], $0xffff;
	_ =	sdelay $0x4  }
0x185: {  	v10 =	vmul.f32 v24, v23;
	_ =	sdelay $0x1  }
0x186: {  	v25 =	vshrl.u32 v10, $0x10  }
0x187: {  	v11 =	vand.u32 $0x1, v25  }
0x188: {  	v10 =	vadd.s32 v11, v10  }
0x189: {  	v26 =	vld [tilespmem:s9+$0x27F0];
	v10 =	vadd.s32 $0x7FFF, v10  }
0x18a: {  	v27 =	vld [tilespmem:s9+$0x77F0];
	v10 =	vand.u32 $0xFFFF0000, v10  }
0x18b: {  	v10 =	vmul.f32 v10, v0;
	_ =	sdelay $0x1  }
0x18c: {  	v14 =	vmul.f32 $2.000000030e-01, v10  }
0x18d: {  	[tilespmem:s9+$0x167E0] =	vst v21;
	vm14 =	vge.f32 v10, $0.0e+00  }
0x18e: {  	[tilespmem:s9+$0x117E0] =	vst v23;
	v28 =	vsel vm14, v10, v14  }
0x18f: {  	[tilespmem:s9+$0xC7E0] =	vst v28  }
0x190: {  	v29 =	vld.idx.msk [tilespmem:v26+s7+$0x0], $0xffff  }
0x191: {  	v30 =	vld.idx.msk [tilespmem:v27+s7+$0x0], $0xffff;
	_ =	sdelay $0x4  }
0x192: {  	v11 =	vmul.f32 v30, v29;
	_ =	sdelay $0x1  }
0x193: {  	v31 =	vshrl.u32 v11, $0x10  }
0x194: {  	v12 =	vand.u32 $0x1, v31  }
0x195: {  	v1 =	vmax.f32 v1, v2;
	v2 =	vadd.s32 v12, v11  }
0x196: {  	v1 =	vmax.f32 v1, v46;
	v2 =	vadd.s32 $0x7FFF, v2  }
0x197: {  	v1 =	vmax.f32 v1, v5;
	v2 =	vand.u32 $0xFFFF0000, v2  }
0x198: {  	v1 =	vmax.f32 v1, v6;
	v0 =	vmul.f32 v2, v0  }
0x199: {  	v1 =	vmax.f32 v1, v3  }
0x19a: {  	v1 =	vmax.f32 v1, v16;
	v2 =	vmul.f32 $2.000000030e-01, v0  }
0x19b: {  	v1 =	vmax.f32 v1, v22;
	[tilespmem:s9+$0x167F0] =	vst v27;
	vm15 =	vge.f32 v0, $0.0e+00  }
0x19c: {  	v1 =	vmax.f32 v1, v28;
	[tilespmem:s9+$0x117F0] =	vst v29;
	v0 =	vsel vm15, v0, v2  }
0x19d: {  	s26 =	sshll.u32 s1, $0x4;
	[tilespmem:s9+$0xC7F0] =	vst v0;
	v0 =	vmax.f32 v1, v0  }
0x19e: {  	s28 =	simm.s32 $0x1B800;
	s29 =	simm.s32 $0x2;
	s7 =	sadd.s32 s26, s4;
	[tilespmem:$0x1B800] =	vst v0  }
0x19f: {  	[spmem:s7] =	stream.linear.scatter [tilespmem:s28], [sflag:$0x2], $0x10, $0x38;
	[tilespmem:$0x1BEA0] =	vst v63  }
0x1a0: {  	_ =	swait.ge [sflag:s29], $0x10  }
0x1a1: {  	[sflag:s29] =	ssyncset.done $0x0  }
0x1a2: {  	[sflag:s29] =	ssyncadd.s32 $0xFFFFFFF0  }
0x1a3: {  	s30 =	simm.s32 $0x1B880;
	[bflag:$0x0] =	sbarrier.arrive $0xFFFF  }
0x1a4: {  	[tilespmem:s30], [sflag:$0x2] =	stream.linear.gather [spmem:s4], $0x100, $0x38;
	[tilespmem:$0x1BEA0] =	vst v63  }
0x1a5: {  	_ =	swait.ge [sflag:s29], $0x100  }
0x1a6: {  	[sflag:s29] =	ssyncset.done $0x0  }
0x1a7: {  	[sflag:s29] =	ssyncadd.s32 $0xFFFFFF00  }
0x1a8: {  	v0 =	vld [tilespmem:$0x1B880]  }
0x1a9: {  	v1 =	vld [tilespmem:$0x1B890]  }
0x1aa: {  	v2 =	vld [tilespmem:$0x1B8A0]  }
0x1ab: {  	v3 =	vld [tilespmem:$0x1B8B0]  }
0x1ac: {  	v32 =	vld [tilespmem:$0x1B8C0]  }
0x1ad: {  	v33 =	vld [tilespmem:$0x1B8D0]  }
0x1ae: {  	v0 =	vmax.f32 v0, v1;
	v1 =	vld [tilespmem:$0x1B8E0]  }
0x1af: {  	v0 =	vmax.f32 v0, v2;
	v2 =	vld [tilespmem:$0x1B8F0]  }
0x1b0: {  	v0 =	vmax.f32 v0, v3;
	v3 =	vld [tilespmem:$0x1B900]  }
0x1b1: {  	v34 =	vld [tilespmem:$0x1B910];
	v0 =	vmax.f32 v0, v32  }
0x1b2: {  	v35 =	vld [tilespmem:$0x1B920];
	v0 =	vmax.f32 v0, v33  }
0x1b3: {  	v0 =	vmax.f32 v0, v1;
	v1 =	vld [tilespmem:$0x1B930]  }
0x1b4: {  	v0 =	vmax.f32 v0, v2;
	v2 =	vld [tilespmem:$0x1B940]  }
0x1b5: {  	v0 =	vmax.f32 v0, v3;
	v3 =	vld [tilespmem:$0x1B950]  }
0x1b6: {  	v36 =	vld [tilespmem:$0x1B960];
	v0 =	vmax.f32 v0, v34  }
0x1b7: {  	v37 =	vld [tilespmem:$0x1B970];
	v0 =	vmax.f32 v0, v35  }
0x1b8: {  	v0 =	vmax.f32 v0, v1  }
0x1b9: {  	v0 =	vmax.f32 v0, v2  }
0x1ba: {  	v0 =	vmax.f32 v0, v3  }
0x1bb: {  	v0 =	vmax.f32 v0, v36  }
0x1bc: {  	v0 =	vmax.f32 v0, v37  }
0x1bd: {  	(xrf0) =	vmax.scan.msk.f32 $0xffff, v0;
	_ =	sdelay $0x2  }
0x1be: {  	s31 =	simm.s32 $0x0  }
0x1bf: {  	v1 =	vld [tilespmem:s31+$0xC780]  }
0x1c0: {  	v2 =	vld [tilespmem:s31+$0xC790]  }
0x1c1: {  	v3 =	vld [tilespmem:s31+$0xC7A0];
	v0, _, _ =	vpop (xrf0)  }
0x1c2: {  	v0 =	vbroadcast v0, $0xF  }
0x1c3: {  	v38 =	vld [tilespmem:s31+$0xC7B0]  }
0x1c4: {  	v39 =	vld [tilespmem:s31+$0xC7C0];
	v1 =	vsub.f32 v1, v0  }
0x1c5: {  	v40 =	vld [tilespmem:s31+$0xC7D0];
	v2 =	vsub.f32 v2, v0  }
0x1c6: {  	v41 =	vld [tilespmem:s31+$0xC7F0];
	v3 =	vsub.f32 v3, v0;
	v1 =	vmul.f32 $1.442695020e+00, v1  }
0x1c7: {  	v42 =	vld [tilespmem:s31+$0xC7E0];
	v2 =	vmul.f32 $1.442695020e+00, v2  }
0x1c8: {  	v4 =	vsub.f32 v38, v0;
	v3 =	vmul.f32 $1.442695020e+00, v3;
	(erf) = vpow2.f32 v1  }
0x1c9: {  	v5 =	vsub.f32 v39, v0;
	(erf) = vpow2.f32 v2  }
0x1ca: {  	v1 =	vmul.f32 $1.442695020e+00, v4;
	v2 =	vsub.f32 v40, v0;
	(erf) = vpow2.f32 v3  }
0x1cb: {  	v43 =	vmul.f32 $1.442695020e+00, v5;
	v3 =	vsub.f32 v41, v0  }
0x1cc: {  	(erf) = vpow2.f32 v1;
	v1 =	vmul.f32 $1.442695020e+00, v2;
	v2 =	vsub.f32 v42, v0  }
0x1cd: {  	(erf) = vpow2.f32 v43;
	v3 =	vmul.f32 $1.442695020e+00, v3  }
0x1ce: {  	v2 =	vmul.f32 $1.442695020e+00, v2;
	(erf) = vpow2.f32 v1;
	v1 =	vld [tilespmem:s31+$0x11780]  }
0x1cf: {  	v44 =	vld [tilespmem:s31+$0x117A0];
	(erf) = vpow2.f32 v3  }
0x1d0: {  	(erf) = vpow2.f32 v2;
	v2 =	vld [tilespmem:s31+$0x11790]  }
0x1d1: {  	p0 =	por $0x1, $0x1;
	v3 =	vpop (erf)  }
0x1d2: {  	v47 =	vimm.f32 $0.0e+00;
	v46 =	vld [tilespmem:s31+$0x117B0];
	v45 =	vpop (erf);
	v3 =	vpsel !p0, $0x0, v3  }
0x1d3: {  	p1 =	por $0x1, $0x1;
	v54 =	vld [tilespmem:s31+$0x117C0];
	v48 =	vpop (erf);
	v1 =	vmul.f32 v3, v1;
	v3 =	vadd.f32 v3, v47  }
0x1d4: {  	v49 =	vld [tilespmem:s31+$0x117D0];
	v5 =	vpsel !p0, $0x0, v45;
	v8 =	vpsel !p1, $0x0, v48  }
0x1d5: {  	v50 =	vld [tilespmem:s31+$0x117F0];
	v51 =	vpop (erf);
	v2 =	vmul.f32 v5, v2;
	[tilespmem:s31+$0xC780] =	vst v1;
	v1 =	vadd.f32 v5, v3;
	v3 =	vmul.f32 v8, v44  }
0x1d6: {  	p5 =	por $0x1, $0x1;
	v53 =	vld [tilespmem:s31+$0x117E0];
	v52 =	vpop (erf);
	v56 =	vpsel !p1, $0x0, v51  }
0x1d7: {  	v55 =	vpop (erf);
	[tilespmem:s31+$0xC790] =	vst v2;
	v6 =	vmul.f32 v56, v46;
	v60 =	vpsel !p5, $0x0, v52;
	v58 =	vadd.f32 v8, v1  }
0x1d8: {  	p6 =	por $0x1, $0x1;
	v2 =	vpsel !p5, $0x0, v55;
	v57 =	vpop (erf);
	[tilespmem:s31+$0xC7A0] =	vst v3;
	v62 =	vmul.f32 v60, v54  }
0x1d9: {  	v59 =	vmul.f32 v2, v49;
	v1 =	vpsel !p6, $0x0, v57;
	[tilespmem:s31+$0xC7B0] =	vst v6;
	v3 =	vpop (erf);
	v5 =	vadd.f32 v56, v58  }
0x1da: {  	v4 =	vmul.f32 v1, v50;
	[tilespmem:s31+$0xC7C0] =	vst v62;
	v3 =	vpsel !p6, $0x0, v3  }
0x1db: {  	[tilespmem:s31+$0xC7D0] =	vst v59;
	v61 =	vmul.f32 v3, v53;
	v63 =	vadd.f32 v60, v5  }
0x1dc: {  	s10 =	simm.s32 $0xC780;
	s11 =	simm.s32 $0x16780;
	[tilespmem:s31+$0xC7F0] =	vst v4  }
0x1dd: {  	s8 =	simm.s32 $0x80;
	s9 =	simm.s32 $0x0;
	p1 =	por $0x1, $0x1;
	[tilespmem:s31+$0xC7E0] =	vst v61;
	v2 =	vadd.f32 v2, v63  }
0x1de: {  	[spmem:s5] =	stream.indirect.scatter.add.f32 [tilespmem:s10], [sflag:$0x1], $0x1, s11, s8, $0xb8;
	[tilespmem:$0x1BEA0] =	vst v63  }
0x1df: {  	s13 =	simm.s32 @!p1 $0x1;
	s10 =	simm.s32 $0x200;
	s11 =	simm.s32 $0xE0;
	v2 =	vadd.f32 v3, v2  }
.LBB2_5:
0x1e0: {  	_ =	swait.ge @!p1 [sflag:s13], $0x80  }
0x1e1: {  	s9 =	sadd.s32 $0x1, s9;
	s12 =	smov.u32 s10;
	s10 =	sadd.s32 $0x200, s10  }
0x1e2: {  	v1 =	vadd.f32 v1, v2;
	p0 =	sne.s32 s10, $0x14000;
	[sflag:s13] =	ssyncset.done @!p1 $0x0  }
0x1e3: {  	s12 =	sshra.s32 s12, $0x2;
	[sflag:s13] =	ssyncadd.s32 @!p1 $0xFFFFFF80  }
0x1e4: {  	v2 =	vld [tilespmem:s12+$0xC780]  }
0x1e5: {  	v3 =	vld [tilespmem:s12+$0xC790]  }
0x1e6: {  	v4 =	vld [tilespmem:s12+$0xC7A0]  }
0x1e7: {  	v5 =	vld [tilespmem:s12+$0xC7B0]  }
0x1e8: {  	v6 =	vld [tilespmem:s12+$0xC7C0]  }
0x1e9: {  	v2 =	vsub.f32 v2, v0  }
0x1ea: {  	v3 =	vsub.f32 v3, v0;
	v7 =	vld [tilespmem:s12+$0xC7D0]  }
0x1eb: {  	v2 =	vmul.f32 $1.442695020e+00, v2;
	v4 =	vsub.f32 v4, v0;
	v8 =	vld [tilespmem:s12+$0xC7F0]  }
0x1ec: {  	v3 =	vmul.f32 $1.442695020e+00, v3;
	v5 =	vsub.f32 v5, v0;
	v9 =	vld [tilespmem:s12+$0xC7E0]  }
0x1ed: {  	v4 =	vmul.f32 $1.442695020e+00, v4;
	v6 =	vsub.f32 v6, v0;
	(erf) = vpow2.f32 v2  }
0x1ee: {  	v2 =	vmul.f32 $1.442695020e+00, v5;
	(erf) = vpow2.f32 v3  }
0x1ef: {  	v3 =	vmul.f32 $1.442695020e+00, v6;
	v5 =	vsub.f32 v7, v0;
	(erf) = vpow2.f32 v4  }
0x1f0: {  	v4 =	vsub.f32 v8, v0;
	(erf) = vpow2.f32 v2  }
0x1f1: {  	v2 =	vmul.f32 $1.442695020e+00, v5;
	v5 =	vsub.f32 v9, v0;
	(erf) = vpow2.f32 v3  }
0x1f2: {  	v3 =	vmul.f32 $1.442695020e+00, v4  }
0x1f3: {  	v4 =	vld [tilespmem:s12+$0x11780];
	v6 =	vmul.f32 $1.442695020e+00, v5;
	(erf) = vpow2.f32 v2  }
0x1f4: {  	(erf) = vpow2.f32 v3  }
0x1f5: {  	v2 =	vld [tilespmem:s12+$0x11790];
	(erf) = vpow2.f32 v6  }
0x1f6: {  	p1 =	slt.u32 s9, $0x9D;
	v3 =	vld [tilespmem:s12+$0x117F0];
	v5 =	vpop (erf)  }
0x1f7: {  	v5 =	vpsel !p1, $0x0, v5;
	v6 =	vld [tilespmem:s12+$0x117A0];
	v7 =	vpop (erf)  }
0x1f8: {  	v4 =	vmul.f32 v5, v4;
	v1 =	vadd.f32 v5, v1;
	v5 =	vld [tilespmem:s12+$0x117C0];
	v8 =	vpop (erf)  }
0x1f9: {  	s13 =	sadd.s32 $0xFFFFFFC0, s11;
	v11 =	vpsel !p1, $0x0, v7;
	v9 =	vld [tilespmem:s12+$0x117B0];
	v10 =	vpop (erf)  }
0x1fa: {  	p1 =	slt.u32 s13, $0x4E20;
	[tilespmem:s12+$0xC780] =	vst v4;
	v2 =	vmul.f32 v11, v2;
	v1 =	vadd.f32 v11, v1;
	v4 =	vld [tilespmem:s12+$0x117D0];
	v7 =	vpop (erf)  }
0x1fb: {  	s13 =	sadd.s32 $0xFFFFFFE0, s11;
	v8 =	vpsel !p1, $0x0, v8;
	v11 =	vld [tilespmem:s12+$0x117E0]  }
0x1fc: {  	p2 =	slt.u32 s13, $0x4E20;
	[tilespmem:s12+$0xC790] =	vst v2;
	v2 =	vmul.f32 v8, v6;
	v12 =	vadd.f32 v8, v1;
	v6 =	vpop (erf)  }
0x1fd: {  	v7 =	vpsel !p2, $0x0, v7;
	v8 =	vpsel !p1, $0x0, v10;
	v6 =	vpsel !p2, $0x0, v6;
	v10 =	vpop (erf)  }
0x1fe: {  	p1 =	slt.u32 s11, $0x4E20;
	v5 =	vmul.f32 v7, v5;
	[tilespmem:s12+$0xC7A0] =	vst v2;
	v2 =	vmul.f32 v8, v9;
	v8 =	vadd.f32 v8, v12;
	v1 =	vpop (erf)  }
0x1ff: {  	v4 =	vmul.f32 v6, v4;
	v9 =	vpsel !p1, $0x0, v1;
	v1 =	vpsel !p1, $0x0, v10  }
0x200: {  	[tilespmem:s12+$0xC7B0] =	vst v2;
	v2 =	vadd.f32 v7, v8;
	v7 =	vmul.f32 v9, v11;
	v3 =	vmul.f32 v1, v3  }
.Ltmp2:
0x201: {  	[tilespmem:s12+$0xC7D0] =	vst v4;
	(pc) =	sbr.rel @p0 .LBB2_5-.Ltmp2, $4  }
0x202: {  	v2 =	vadd.f32 v6, v2;
	[tilespmem:s12+$0xC7F0] =	vst v3  }
0x203: {  	s14 =	sadd.s32 $0xC780, s12;
	s15 =	sadd.s32 $0x16780, s12;
	p1 =	slt.u32 s9, $0x8;
	[tilespmem:s12+$0xC7E0] =	vst v7  }
0x204: {  	s11 =	sadd.s32 $0x80, s11;
	s13 =	simm.s32 @!p1 $0x1;
	[tilespmem:s12+$0xC7C0] =	vst v5;
	v2 =	vadd.f32 v9, v2  }
0x205: {  	[spmem:s5] =	stream.indirect.scatter.add.f32 [tilespmem:s14], [sflag:$0x1], $0x1, s15, s8, $0xb8;
	[tilespmem:$0x1BEA0] =	vst v63  }
0x206: {  	_ =	swait.ge @!p1 [sflag:s13], $0x80  }
0x207: {  	v0 =	vadd.f32 v1, v2;
	[sflag:s13] =	ssyncset.done @!p1 $0x0  }
0x208: {  	[sflag:s13] =	ssyncadd.s32 @!p1 $0xFFFFFF80  }
0x209: {  	s5 =	sadd.s32 $0x100, s7;
	s26 =	simm.s32 $0x1B800;
	s28 =	simm.s32 $0x2;
	[tilespmem:$0x1B800] =	vst v0  }
0x20a: {  	[spmem:s5] =	stream.linear.scatter [tilespmem:s26], [sflag:$0x2], $0x10, $0x38;
	[tilespmem:$0x1BEA0] =	vst v63  }
0x20b: {  	_ =	swait.ge [sflag:s28], $0x10  }
0x20c: {  	[sflag:s28] =	ssyncset.done $0x0  }
0x20d: {  	s29 =	simm.s32 $0x1;
	[sflag:s28] =	ssyncadd.s32 $0xFFFFFFF0  }
0x20e: {  	_ =	swait.ge [sflag:s29], $0x80  }
0x20f: {  	[sflag:s29] =	ssyncset.done $0x0  }
0x210: {  	[sflag:s29] =	ssyncadd.s32 $0xFFFFFF80  }
0x211: {  	_ =	swait.ge [sflag:s29], $0x80  }
0x212: {  	[sflag:s29] =	ssyncset.done $0x0  }
0x213: {  	[sflag:s29] =	ssyncadd.s32 $0xFFFFFF80  }
0x214: {  	_ =	swait.ge [sflag:s29], $0x80  }
0x215: {  	[sflag:s29] =	ssyncset.done $0x0  }
0x216: {  	[sflag:s29] =	ssyncadd.s32 $0xFFFFFF80  }
0x217: {  	_ =	swait.ge [sflag:s29], $0x80  }
0x218: {  	[sflag:s29] =	ssyncset.done $0x0  }
0x219: {  	[sflag:s29] =	ssyncadd.s32 $0xFFFFFF80  }
0x21a: {  	_ =	swait.ge [sflag:s29], $0x80  }
0x21b: {  	[sflag:s29] =	ssyncset.done $0x0  }
0x21c: {  	[sflag:s29] =	ssyncadd.s32 $0xFFFFFF80  }
0x21d: {  	_ =	swait.ge [sflag:s29], $0x80  }
0x21e: {  	[sflag:s29] =	ssyncset.done $0x0  }
0x21f: {  	[sflag:s29] =	ssyncadd.s32 $0xFFFFFF80  }
0x220: {  	_ =	swait.ge [sflag:s29], $0x80  }
0x221: {  	[sflag:s29] =	ssyncset.done $0x0  }
0x222: {  	[sflag:s29] =	ssyncadd.s32 $0xFFFFFF80  }
0x223: {  	_ =	swait.ge [sflag:s29], $0x80  }
0x224: {  	[sflag:s29] =	ssyncset.done $0x0  }
0x225: {  	[sflag:s29] =	ssyncadd.s32 $0xFFFFFF80  }
0x226: {  	s4 =	sadd.s32 $0x100, s4;
	s30 =	simm.s32 $0x1B880;
	[bflag:$0x0] =	sbarrier.arrive $0xFFFF  }
0x227: {  	[tilespmem:s30], [sflag:$0x2] =	stream.linear.gather [spmem:s4], $0x100, $0x38;
	[tilespmem:$0x1BEA0] =	vst v63  }
0x228: {  	_ =	swait.ge [sflag:s28], $0x100  }
0x229: {  	[sflag:s28] =	ssyncset.done $0x0  }
0x22a: {  	[sflag:s28] =	ssyncadd.s32 $0xFFFFFF00  }
0x22b: {  	v0 =	vld [tilespmem:$0x1B880];
	_ =	sdelay $0x1  }
0x22c: {  	v1 =	vld [tilespmem:$0x1B890];
	_ =	sdelay $0x1  }
0x22d: {  	v2 =	vld [tilespmem:$0x1B8A0]  }
0x22e: {  	v0 =	vadd.f32 $0.0e+00, v0  }
0x22f: {  	v3 =	vld [tilespmem:$0x1B8B0]  }
0x230: {  	v0 =	vadd.f32 v1, v0  }
0x231: {  	v1 =	vld [tilespmem:$0x1B8C0]  }
0x232: {  	v0 =	vadd.f32 v2, v0  }
0x233: {  	v2 =	vld [tilespmem:$0x1B8D0]  }
0x234: {  	v0 =	vadd.f32 v3, v0  }
0x235: {  	v3 =	vld [tilespmem:$0x1B8E0]  }
0x236: {  	v0 =	vadd.f32 v1, v0  }
0x237: {  	v1 =	vld [tilespmem:$0x1B8F0]  }
0x238: {  	v0 =	vadd.f32 v2, v0  }
0x239: {  	v2 =	vld [tilespmem:$0x1B900]  }
0x23a: {  	v0 =	vadd.f32 v3, v0  }
0x23b: {  	v3 =	vld [tilespmem:$0x1B910]  }
0x23c: {  	v0 =	vadd.f32 v1, v0  }
0x23d: {  	v1 =	vld [tilespmem:$0x1B920]  }
0x23e: {  	v0 =	vadd.f32 v2, v0  }
0x23f: {  	v2 =	vld [tilespmem:$0x1B930]  }
0x240: {  	v0 =	vadd.f32 v3, v0  }
0x241: {  	v3 =	vld [tilespmem:$0x1B940]  }
0x242: {  	v0 =	vadd.f32 v1, v0  }
0x243: {  	v1 =	vld [tilespmem:$0x1B950]  }
0x244: {  	v0 =	vadd.f32 v2, v0  }
0x245: {  	v2 =	vld [tilespmem:$0x1B960]  }
0x246: {  	v0 =	vadd.f32 v3, v0  }
0x247: {  	v3 =	vld [tilespmem:$0x1B970]  }
0x248: {  	v0 =	vadd.f32 v1, v0;
	_ =	sdelay $0x1  }
0x249: {  	v0 =	vadd.f32 v2, v0;
	_ =	sdelay $0x1  }
0x24a: {  	v0 =	vadd.f32 v3, v0;
	_ =	sdelay $0x1  }
0x24b: {  	(xrf2) =	vadd.scan.msk.f32 $0xffff, v0;
	_ =	sdelay $0x9  }
0x24c: {  	v0, _, _ =	vpop (xrf2)  }
0x24d: {  	v0 =	vbroadcast v0, $0xF;
	_ =	sdelay $0x1  }
0x24e: {  	(erf) = vrcp.f32 v0;
	_ =	sdelay $0x7  }
0x24f: {  	s31 =	simm.s32 $0x1B980  }
0x250: {  	[tilespmem:s31], [sflag:$0x2] =	stream.linear.gather [spmem:s6], $0x280, $0x38;
	v0 =	vpop (erf);
	[tilespmem:$0x1BEA0] =	vst v63  }
0x251: {  	_ =	swait.ge [sflag:s28], $0x280  }
0x252: {  	[sflag:s28] =	ssyncset.done $0x0  }
0x253: {  	s5 =	simm.s32 $0x40;
	s4 =	simm.s32 $0x0;
	[sflag:s28] =	ssyncadd.s32 $0xFFFFFD80  }
.LBB2_7:
0x254: {  	p0 =	sne.s32 s5, $0x9C0;
	v1 =	vld [tilespmem:s4+$0x1B980];
	_ =	sdelay $0x4  }
0x255: {  	v1 =	vmul.f32 v1, v0;
	_ =	sdelay $0x1  }
0x256: {  	v2 =	vmul.f32 $1.442695020e+00, v1;
	_ =	sdelay $0x1  }
0x257: {  	(erf) = vpow2.f32 v2;
	_ =	sdelay $0x8  }
.Ltmp3:
0x258: {  	v2 =	vpop (erf);
	(pc) =	sbr.rel @p0 .LBB2_7-.Ltmp3, $4  }
0x259: {  	v2 =	vadd.f32 $-1.000000000e+00, v2  }
0x25a: {  	vm0 =	vgt.f32 v1, $0.0e+00  }
0x25b: {  	v1 =	vsel vm0, v1, v2  }
0x25c: {  	[tilespmem:s4+$0x1B980] =	vst v1;
	s4 =	sshra.s32 s5, $0x2;
	s5 =	sadd.s32 $0x40, s5  }
0x25d: {  	v1 =	vld [tilespmem:s4+$0x1B980];
	_ =	sdelay $0x4  }
0x25e: {  	v0 =	vmul.f32 v1, v0;
	_ =	sdelay $0x1  }
0x25f: {  	v1 =	vmul.f32 $1.442695020e+00, v0;
	_ =	sdelay $0x1  }
0x260: {  	(erf) = vpow2.f32 v1;
	_ =	sdelay $0x8  }
0x261: {  	v1 =	vpop (erf)  }
0x262: {  	v1 =	vadd.f32 $-1.000000000e+00, v1  }
0x263: {  	vm0 =	vgt.f32 v0, $0.0e+00  }
0x264: {  	s3 =	sshrl.u32 s3, $0x3;
	s29 =	simm.s32 $0x0;
	v0 =	vsel vm0, v0, v1  }
0x265: {  	s30 =	simm.s32 $0x1B980;
	s31 =	simm.s32 $0x2;
	s2 =	sadd.s32 s2, s3;
	[tilespmem:s4+$0x1B980] =	vst v0  }
0x266: {  	[hbm4b:s2+s29] =	stream.linear.scatter [tilespmem:s30], [sflag:$0x2], $0x280, $0x38;
	[tilespmem:$0x1BEA0] =	vst v63  }
0x267: {  	_ =	swait.ge [sflag:s31], $0x280  }
0x268: {  	[sflag:s31] =	ssyncset.done $0x0  }
0x269: {  	[sflag:s31] =	ssyncadd.s32 $0xFFFFFD80  }
0x26a: {  	_ =	sfence.sel $0x180000  }
0x26b: {  	[bflag:$0x0] =	sbarrier.arrive $0xFFFF  }
0x26c: {  	p0 =	sne.s32 s1, $0x0;
	_ =	strace $0x90000047  }
0x26d: {  	s0 =	sadd.s32 @!p0 $0x100000, s0;
	[bflag:$0x2] =	sbarrier.arrive $0xFFFF  }
0x26e: {  	[sflag:s0] =	ssyncadd.tile.s32 @!p0 $0x1;
	_ =	shalt  }
.Lfunc_end2:
_tile_overlayer_lowered:
.L_overlay_start_2:
0x26f: {  	(tag) =	ssettag $0x2  }
0x270: {  	s0 =	rddreg [dreg:$0x0];
	s2 =	stileid.u32  }
0x271: {  	s1 =	rddreg [dreg:$0x1];
	p0 =	sne.s32 s2, $0x0  }
0x272: {  	s3 =	rddreg [dreg:$0x2];
	[bflag:$0x3] =	sbarrier.arrive $0xFFFF;
	s2 =	simm.s32 @!p0 $0x1C02  }
0x273: {  	[timem:s3], [sflag:s2] =	dma.local @!p0 [hbm:s0], s1  }
0x274: {  	s0 =	simm.s32 @!p0 $0x2  }
0x275: {  	_ =	swait.ge @!p0 [sflag:s0], s1  }
0x276: {  	s1 =	ssub.s32 @!p0 $0x0, s1;
	[sflag:s0] =	ssyncset.done @!p0 $0x0  }
0x277: {  	[sflag:s0] =	ssyncadd.s32 @!p0 s1  }
0x278: {  	[bflag:$0x3] =	sbarrier.arrive $0xFFFF  }
0x279: {  	_ =	shalt  }

</sc_bundles>
